<compile_context>
chip_gen: v7x
topology: tpu7x:2x2x1
jax: 0.10.2.dev20260603
libtpu: 0.0.44.dev20260713+nightly
codegen_flags: <defaults>
</compile_context>

<pallas_src>
import functools

import jax
import jax.numpy as jnp
from jax import lax
from jax.experimental import pallas as pl
from jax.experimental.pallas import tpu as pltpu
from jax.experimental.pallas import tpu_sc as plsc

NPOS = 8192
NPRIM = 1024
NORB = 256
BN = 512

NSC = 512
NTC = NPOS - NSC
NWORK = 32
RPW = NSC // NWORK
L = 16
BSC = 256

_LOG2E = 1.4426950408889634



def _basis_block(pos_ref, cn_ref, centerT_ref, at_ref, lmnT_ref, oi_ref,
                 out_ref):
    p = pos_ref[...]
    x = p[:, 0:1]
    y = p[:, 1:2]
    z = p[:, 2:3]

    cx = centerT_ref[0:1, :]
    cy = centerT_ref[1:2, :]
    cz = centerT_ref[2:3, :]

    dx = x - cx
    dy = y - cy
    dz = z - cz
    d2x = dx * dx
    d2y = dy * dy
    d2z = dz * dz
    r2 = (d2x + d2y) + d2z

    lx = lmnT_ref[0:1, :]
    ly = lmnT_ref[1:2, :]
    lz = lmnT_ref[2:3, :]
    ax = jnp.where(lx == 0, 1.0, jnp.where(lx == 1, dx, d2x))
    ay = jnp.where(ly == 0, 1.0, jnp.where(ly == 1, dy, d2y))
    az = jnp.where(lz == 0, 1.0, jnp.where(lz == 1, dz, d2z))

    ex = jnp.exp2(at_ref[...] * r2)
    prim = (cn_ref[...] * ax) * (ay * az) * ex

    col = jax.lax.broadcasted_iota(jnp.int32, (NORB, NPRIM), 0)
    s = (col == oi_ref[...]).astype(jnp.float32)
    out_ref[...] = jax.lax.dot_general(
        prim, s, (((1,), (1,)), ((), ())),
        preferred_element_type=jnp.float32)


def _tc_part(pos, cn, centerT, at, lmnT, oi):
    grid = (NTC // BN,)
    return pl.pallas_call(
        _basis_block,
        grid=grid,
        in_specs=[
            pl.BlockSpec((BN, 3), lambda i: (i, 0)),
            pl.BlockSpec((1, NPRIM), lambda i: (0, 0)),
            pl.BlockSpec((3, NPRIM), lambda i: (0, 0)),
            pl.BlockSpec((1, NPRIM), lambda i: (0, 0)),
            pl.BlockSpec((3, NPRIM), lambda i: (0, 0)),
            pl.BlockSpec((1, NPRIM), lambda i: (0, 0)),
        ],
        out_specs=pl.BlockSpec((BN, NORB), lambda i: (i, 0)),
        out_shape=jax.ShapeDtypeStruct((NTC, NORB), jnp.float32),
        compiler_params=pltpu.CompilerParams(
            dimension_semantics=("parallel",)),
    )(pos, cn, centerT, at, lmnT, oi)



def _sc_body(pxr_hbm, pf_hbm, li_hbm, out_hbm, pxr_v, pf_v, li_v, prim_v):
    wid = lax.axis_index("s") * 2 + lax.axis_index("c")
    base = wid * RPW

    pltpu.sync_copy(pxr_hbm.at[pl.ds(base * 3 * L, RPW * 3 * L)], pxr_v)
    pltpu.sync_copy(pf_hbm, pf_v)
    pltpu.sync_copy(li_hbm, li_v)

    def row_body(r, _):
        x = pxr_v[pl.ds(r * 3 * L, L)]
        y = pxr_v[pl.ds(r * 3 * L + L, L)]
        z = pxr_v[pl.ds(r * 3 * L + 2 * L, L)]

        def slice_body(j, __):
            o = j * L
            cx = pf_v[pl.ds(o, L)]
            cy = pf_v[pl.ds(NPRIM + o, L)]
            cz = pf_v[pl.ds(2 * NPRIM + o, L)]
            at = pf_v[pl.ds(3 * NPRIM + o, L)]
            cn = pf_v[pl.ds(4 * NPRIM + o, L)]
            lx = li_v[pl.ds(o, L)]
            ly = li_v[pl.ds(NPRIM + o, L)]
            lz = li_v[pl.ds(2 * NPRIM + o, L)]
            dx = x - cx
            dy = y - cy
            dz = z - cz
            d2x = dx * dx
            d2y = dy * dy
            d2z = dz * dz
            r2 = (d2x + d2y) + d2z
            ax = jnp.where(lx == 0, 1.0, jnp.where(lx == 1, dx, d2x))
            ay = jnp.where(ly == 0, 1.0, jnp.where(ly == 1, dy, d2y))
            az = jnp.where(lz == 0, 1.0, jnp.where(lz == 1, dz, d2z))
            prim = (cn * ax) * (ay * az) * jnp.exp(at * r2)
            prim_v[pl.ds(r * NPRIM + o, L)] = prim
            return __

        lax.fori_loop(0, NPRIM // L, slice_body, 0, unroll=4)
        return _

    lax.fori_loop(0, RPW, row_body, 0, unroll=False)
    pltpu.sync_copy(prim_v, out_hbm.at[pl.ds(base * NPRIM, RPW * NPRIM)])


def _sc_part(pxr, pf, li):
    mesh = plsc.VectorSubcoreMesh(core_axis_name="c", subcore_axis_name="s")
    run = functools.partial(
        pl.kernel,
        mesh=mesh,
        out_type=jax.ShapeDtypeStruct((NSC * NPRIM,), jnp.float32),
        scratch_types=[
            pltpu.VMEM((RPW * 3 * L,), jnp.float32),
            pltpu.VMEM((5 * NPRIM,), jnp.float32),
            pltpu.VMEM((3 * NPRIM,), jnp.int32),
            pltpu.VMEM((RPW * NPRIM,), jnp.float32),
        ],
    )(_sc_body)
    return run(pxr, pf, li)



def _seg_block(prim_ref, oi_ref, out_ref):
    col = jax.lax.broadcasted_iota(jnp.int32, (NORB, NPRIM), 0)
    s = (col == oi_ref[...]).astype(jnp.float32)
    out_ref[...] = jax.lax.dot_general(
        prim_ref[...], s, (((1,), (1,)), ((), ())),
        preferred_element_type=jnp.float32)


def _seg_part(prim_sc, oi):
    return pl.pallas_call(
        _seg_block,
        grid=(NSC // BSC,),
        in_specs=[
            pl.BlockSpec((BSC, NPRIM), lambda i: (i, 0)),
            pl.BlockSpec((1, NPRIM), lambda i: (0, 0)),
        ],
        out_specs=pl.BlockSpec((BSC, NORB), lambda i: (i, 0)),
        out_shape=jax.ShapeDtypeStruct((NSC, NORB), jnp.float32),
        compiler_params=pltpu.CompilerParams(
            dimension_semantics=("parallel",)),
    )(prim_sc, oi)



@jax.jit
def kernel(pos, coefficients, center, alpha, norm, lmn, orbital_index):
    cn = (coefficients * norm).reshape(1, NPRIM)
    centerT = center.T
    lmnT = lmn.T
    at = (-_LOG2E * alpha).reshape(1, NPRIM)
    oi = orbital_index.reshape(1, NPRIM)

    out_tc = _tc_part(pos[:NTC], cn, centerT, at, lmnT, oi)

    pxr = jnp.repeat(pos[NTC:, :, None], L, axis=2).reshape(-1)
    pf = jnp.concatenate(
        [center[:, 0], center[:, 1], center[:, 2], -alpha,
         (coefficients * norm)], axis=0)
    li = lmnT.reshape(-1)
    prim_sc = _sc_part(pxr, pf, li).reshape(NSC, NPRIM)
    out_sc = _seg_part(prim_sc, oi)

    return jnp.concatenate([out_tc, out_sc], axis=0)

# --- scband reference (transcript-rebuilt; emitter-appended) ---
"""Pipeline reference for scband-basis-44805098832284 (READ-ONLY COPY).

The authoritative reference and input builder live on the scoring server;
editing this copy changes nothing except your own understanding.
"""

import jax, jax.numpy as jnp
import numpy as np

NPOS = 8192
NPRIM = 1024
NORB = 256


def _ipow(d, l):
    # integer powers l in {0,1,2} without nan for negative bases
    return jnp.where(l == 0, 1.0, jnp.where(l == 1, d, d * d))


def _primitives(pos, center, alpha, norm, lmn):
    # pos: [N,3], center: [P,3] -> primitive values [N,P]
    disp = pos[:, None, :] - center[None, :, :]            # [N,P,3]
    r2 = jnp.sum(disp * disp, axis=-1)                     # [N,P]
    l = lmn[None, :, :]
    ang = (_ipow(disp[..., 0], l[..., 0])
           * _ipow(disp[..., 1], l[..., 1])
           * _ipow(disp[..., 2], l[..., 2]))               # [N,P]
    return norm[None, :] * ang * jnp.exp(-alpha[None, :] * r2)


def setup_inputs(seed: int = 0) -> dict:
    key = jax.random.key(seed)
    ks = jax.random.split(key, 7)
    pos = jax.random.normal(ks[0], (NPOS, 3), dtype=jnp.float32) * 3.0
    coefficients = jax.random.normal(ks[1], (NPRIM,), dtype=jnp.float32)
    center = jax.random.normal(ks[2], (NPRIM, 3), dtype=jnp.float32) * 2.0
    alpha = jax.random.uniform(ks[3], (NPRIM,), dtype=jnp.float32, minval=0.1, maxval=2.0)
    norm = jax.random.uniform(ks[4], (NPRIM,), dtype=jnp.float32, minval=0.5, maxval=1.5)
    lmn = jax.random.randint(ks[5], (NPRIM, 3), 0, 3).astype(jnp.int32)
    orbital_index = jnp.sort(jax.random.randint(ks[6], (NPRIM,), 0, NORB)).astype(jnp.int32)
    return {
        'pos': pos,
        'coefficients': coefficients,
        'center': center,
        'alpha': alpha,
        'norm': norm,
        'lmn': lmn,
        'orbital_index': orbital_index,
    }


def reference(pos, coefficients, center, alpha, norm, lmn, orbital_index):
    # Basis.__call__: prim = coefficients[None,:] * primitives(pos)
    prim = coefficients[None, :] * _primitives(pos, center, alpha, norm, lmn)  # [N,P]
    # orb = segment_sum(prim.T, orbital_index, num_segments=num_orbitals)
    orb = jax.ops.segment_sum(prim.T, orbital_index, num_segments=NORB)        # [M,N]
    return orb.T                                                               # [N,M]

if __name__ == "__main__":
    import jax
    _d = setup_inputs()
    print(jax.jit(kernel)(*tuple(_d.values())))

</pallas_src>

<mosaic_0001>
#map = affine_map<(d0, d1) -> (0)>
module attributes {stable_mosaic.version = 14 : i64} {
  func.func @_sc_body(%arg0: i32, %arg1: i32, %arg2: memref<24576xf32, #tpu.memory_space<hbm>>, %arg3: memref<5120xf32, #tpu.memory_space<hbm>>, %arg4: memref<3072xi32, #tpu.memory_space<hbm>>, %arg5: memref<524288xf32, #tpu.memory_space<hbm>>, %arg6: memref<768xf32, #tpu.memory_space<vmem>>, %arg7: memref<5120xf32, #tpu.memory_space<vmem>>, %arg8: memref<3072xi32, #tpu.memory_space<vmem>>, %arg9: memref<16384xf32, #tpu.memory_space<vmem>>) attributes {dimension_semantics = [#tpu.dimension_semantics<core_parallel>, #tpu.dimension_semantics<subcore_parallel>], iteration_bounds = array<i64: 2, 16>, scalar_prefetch = 0 : i64, scratch_operands = 4 : i64, tpu.core_type = #tpu.core_type<sc_vector_subcore>, window_params = [{transform_indices = #map}, {transform_indices = #map}, {transform_indices = #map}, {transform_indices = #map}]} {
    %mul3A = arith.constant 2 : i32
    %mul3A_0 = arith.muli %arg1, %mul3A : i32
    %add3A = arith.addi %mul3A_0, %arg0 : i32
    %mul3A_1 = arith.constant 16 : i32
    %mul3A_2 = arith.muli %add3A, %mul3A_1 : i32
    %mul3A_3 = arith.constant 3 : i32
    %mul3A_4 = arith.muli %mul3A_2, %mul3A_3 : i32
    %mul3A_5 = arith.constant 16 : i32
    %mul3A_6 = arith.muli %mul3A_4, %mul3A_5 : i32
    "tpu.region"() ({
      %run_scoped3A = tpu.sem_alloc : memref<!tpu.dma_semaphore, #tpu.memory_space<semaphore_mem>>
      %dma_start3A = tpu.memref_slice %arg2[%mul3A_6] : memref<24576xf32, #tpu.memory_space<hbm>> -> memref<768xf32, #tpu.memory_space<hbm>>
      %dma_start3A_14 = tpu.memref_slice %arg2[%mul3A_6] : memref<24576xf32, #tpu.memory_space<hbm>> -> memref<768xf32, #tpu.memory_space<hbm>>
      tpu.enqueue_dma source(%dma_start3A_14 : memref<768xf32, #tpu.memory_space<hbm>>) target(%arg6 : memref<768xf32, #tpu.memory_space<vmem>>) target_semaphore(%run_scoped3A : memref<!tpu.dma_semaphore, #tpu.memory_space<semaphore_mem>>)
      %dma_wait3A = tpu.memref_slice %arg2[%mul3A_6] : memref<24576xf32, #tpu.memory_space<hbm>> -> memref<768xf32, #tpu.memory_space<hbm>>
      %dma_wait3A_15 = tpu.memref_slice %arg2[%mul3A_6] : memref<24576xf32, #tpu.memory_space<hbm>> -> memref<768xf32, #tpu.memory_space<hbm>>
      tpu.wait_dma2 semaphore(%run_scoped3A : memref<!tpu.dma_semaphore, #tpu.memory_space<semaphore_mem>>) src(%dma_wait3A_15 : memref<768xf32, #tpu.memory_space<hbm>>) dst(%arg6 : memref<768xf32, #tpu.memory_space<vmem>>)
      tpu.yield
    }) : () -> ()
    "tpu.region"() ({
      %run_scoped3A = tpu.sem_alloc : memref<!tpu.dma_semaphore, #tpu.memory_space<semaphore_mem>>
      tpu.enqueue_dma source(%arg3 : memref<5120xf32, #tpu.memory_space<hbm>>) target(%arg7 : memref<5120xf32, #tpu.memory_space<vmem>>) target_semaphore(%run_scoped3A : memref<!tpu.dma_semaphore, #tpu.memory_space<semaphore_mem>>)
      tpu.wait_dma2 semaphore(%run_scoped3A : memref<!tpu.dma_semaphore, #tpu.memory_space<semaphore_mem>>) src(%arg3 : memref<5120xf32, #tpu.memory_space<hbm>>) dst(%arg7 : memref<5120xf32, #tpu.memory_space<vmem>>)
      tpu.yield
    }) : () -> ()
    "tpu.region"() ({
      %run_scoped3A = tpu.sem_alloc : memref<!tpu.dma_semaphore, #tpu.memory_space<semaphore_mem>>
      tpu.enqueue_dma source(%arg4 : memref<3072xi32, #tpu.memory_space<hbm>>) target(%arg8 : memref<3072xi32, #tpu.memory_space<vmem>>) target_semaphore(%run_scoped3A : memref<!tpu.dma_semaphore, #tpu.memory_space<semaphore_mem>>)
      tpu.wait_dma2 semaphore(%run_scoped3A : memref<!tpu.dma_semaphore, #tpu.memory_space<semaphore_mem>>) src(%arg4 : memref<3072xi32, #tpu.memory_space<hbm>>) dst(%arg8 : memref<3072xi32, #tpu.memory_space<vmem>>)
      tpu.yield
    }) : () -> ()
    %scan3A = arith.constant 0 : i32
    %scan3A_7 = arith.constant 0 : i32
    %scan3A_8 = arith.constant 16 : i32
    %scan3A_9 = arith.addi %scan3A_7, %scan3A_8 : i32
    %scan3A_10 = arith.constant 1 : i32
    scf.for %scan3A_14 = %scan3A_7 to %scan3A_9 step %scan3A_10  : i32 {
      %mul3A_15 = arith.constant 3 : i32
      %mul3A_16 = arith.muli %scan3A_14, %mul3A_15 : i32
      %mul3A_17 = arith.constant 16 : i32
      %mul3A_18 = arith.muli %mul3A_16, %mul3A_17 : i32
      %get3A = arith.index_cast %mul3A_18 : i32 to index
      %get3A_19 = tpu.vector_load %arg6[%get3A] {strides = array<i32>} : memref<768xf32, #tpu.memory_space<vmem>>, vector<16xf32>,
      %get3A_20 = vector.shape_cast %get3A_19 : vector<16xf32> to vector<16xf32>
      %mul3A_21 = arith.constant 3 : i32
      %mul3A_22 = arith.muli %scan3A_14, %mul3A_21 : i32
      %mul3A_23 = arith.constant 16 : i32
      %mul3A_24 = arith.muli %mul3A_22, %mul3A_23 : i32
      %add3A_25 = arith.constant 16 : i32
      %add3A_26 = arith.addi %mul3A_24, %add3A_25 : i32
      %get3A_27 = arith.index_cast %add3A_26 : i32 to index
      %get3A_28 = tpu.vector_load %arg6[%get3A_27] {strides = array<i32>} : memref<768xf32, #tpu.memory_space<vmem>>, vector<16xf32>,
      %get3A_29 = vector.shape_cast %get3A_28 : vector<16xf32> to vector<16xf32>
      %mul3A_30 = arith.constant 3 : i32
      %mul3A_31 = arith.muli %scan3A_14, %mul3A_30 : i32
      %mul3A_32 = arith.constant 16 : i32
      %mul3A_33 = arith.muli %mul3A_31, %mul3A_32 : i32
      %add3A_34 = arith.constant 32 : i32
      %add3A_35 = arith.addi %mul3A_33, %add3A_34 : i32
      %get3A_36 = arith.index_cast %add3A_35 : i32 to index
      %get3A_37 = tpu.vector_load %arg6[%get3A_36] {strides = array<i32>} : memref<768xf32, #tpu.memory_space<vmem>>, vector<16xf32>,
      %get3A_38 = vector.shape_cast %get3A_37 : vector<16xf32> to vector<16xf32>
      %scan3A_39 = arith.constant 0 : i32
      %scan3A_40 = arith.constant 0 : i32
      %scan3A_41 = arith.constant 64 : i32
      %scan3A_42 = arith.addi %scan3A_40, %scan3A_41 : i32
      %scan3A_43 = arith.constant 4 : i32
      scf.for %scan3A_45 = %scan3A_40 to %scan3A_42 step %scan3A_43  : i32 {
        %mul3A_46 = arith.constant 16 : i32
        %mul3A_47 = arith.muli %scan3A_45, %mul3A_46 : i32
        %get3A_48 = arith.index_cast %mul3A_47 : i32 to index
        %get3A_49 = tpu.vector_load %arg7[%get3A_48] {strides = array<i32>} : memref<5120xf32, #tpu.memory_space<vmem>>, vector<16xf32>,
        %get3A_50 = vector.shape_cast %get3A_49 : vector<16xf32> to vector<16xf32>
        %add3A_51 = arith.constant 1024 : i32
        %add3A_52 = arith.addi %add3A_51, %mul3A_47 : i32
        %get3A_53 = arith.index_cast %add3A_52 : i32 to index
        %get3A_54 = tpu.vector_load %arg7[%get3A_53] {strides = array<i32>} : memref<5120xf32, #tpu.memory_space<vmem>>, vector<16xf32>,
        %get3A_55 = vector.shape_cast %get3A_54 : vector<16xf32> to vector<16xf32>
        %add3A_56 = arith.constant 2048 : i32
        %add3A_57 = arith.addi %add3A_56, %mul3A_47 : i32
        %get3A_58 = arith.index_cast %add3A_57 : i32 to index
        %get3A_59 = tpu.vector_load %arg7[%get3A_58] {strides = array<i32>} : memref<5120xf32, #tpu.memory_space<vmem>>, vector<16xf32>,
        %get3A_60 = vector.shape_cast %get3A_59 : vector<16xf32> to vector<16xf32>
        %add3A_61 = arith.constant 3072 : i32
        %add3A_62 = arith.addi %add3A_61, %mul3A_47 : i32
        %get3A_63 = arith.index_cast %add3A_62 : i32 to index
        %get3A_64 = tpu.vector_load %arg7[%get3A_63] {strides = array<i32>} : memref<5120xf32, #tpu.memory_space<vmem>>, vector<16xf32>,
        %get3A_65 = vector.shape_cast %get3A_64 : vector<16xf32> to vector<16xf32>
        %add3A_66 = arith.constant 4096 : i32
        %add3A_67 = arith.addi %add3A_66, %mul3A_47 : i32
        %get3A_68 = arith.index_cast %add3A_67 : i32 to index
        %get3A_69 = tpu.vector_load %arg7[%get3A_68] {strides = array<i32>} : memref<5120xf32, #tpu.memory_space<vmem>>, vector<16xf32>,
        %get3A_70 = vector.shape_cast %get3A_69 : vector<16xf32> to vector<16xf32>
        %get3A_71 = arith.index_cast %mul3A_47 : i32 to index
        %get3A_72 = tpu.vector_load %arg8[%get3A_71] {strides = array<i32>} : memref<3072xi32, #tpu.memory_space<vmem>>, vector<16xi32>,
        %get3A_73 = vector.shape_cast %get3A_72 : vector<16xi32> to vector<16xi32>
        %add3A_74 = arith.constant 1024 : i32
        %add3A_75 = arith.addi %add3A_74, %mul3A_47 : i32
        %get3A_76 = arith.index_cast %add3A_75 : i32 to index
        %get3A_77 = tpu.vector_load %arg8[%get3A_76] {strides = array<i32>} : memref<3072xi32, #tpu.memory_space<vmem>>, vector<16xi32>,
        %get3A_78 = vector.shape_cast %get3A_77 : vector<16xi32> to vector<16xi32>
        %add3A_79 = arith.constant 2048 : i32
        %add3A_80 = arith.addi %add3A_79, %mul3A_47 : i32
        %get3A_81 = arith.index_cast %add3A_80 : i32 to index
        %get3A_82 = tpu.vector_load %arg8[%get3A_81] {strides = array<i32>} : memref<3072xi32, #tpu.memory_space<vmem>>, vector<16xi32>,
        %get3A_83 = vector.shape_cast %get3A_82 : vector<16xi32> to vector<16xi32>
        %sub3A = arith.subf %get3A_20, %get3A_50 : vector<16xf32>
        %sub3A_84 = arith.subf %get3A_29, %get3A_55 : vector<16xf32>
        %sub3A_85 = arith.subf %get3A_38, %get3A_60 : vector<16xf32>
        %mul3A_86 = arith.mulf %sub3A, %sub3A : vector<16xf32>
        %mul3A_87 = arith.mulf %sub3A_84, %sub3A_84 : vector<16xf32>
        %mul3A_88 = arith.mulf %sub3A_85, %sub3A_85 : vector<16xf32>
        %add3A_89 = arith.addf %mul3A_86, %mul3A_87 : vector<16xf32>
        %add3A_90 = arith.addf %add3A_89, %mul3A_88 : vector<16xf32>
        %eq3A = arith.constant 0 : i32
        %eq3A_91 = vector.broadcast %eq3A : i32 to vector<16xi32>
        %eq3A_92 = arith.cmpi eq, %get3A_73, %eq3A_91 : vector<16xi32>
        %eq3A_93 = arith.constant 1 : i32
        %eq3A_94 = vector.broadcast %eq3A_93 : i32 to vector<16xi32>
        %eq3A_95 = arith.cmpi eq, %get3A_73, %eq3A_94 : vector<16xi32>
        %select_n3A = arith.select %eq3A_95, %sub3A, %mul3A_86 : vector<16xi1>, vector<16xf32>
        %jit3A = arith.constant 1.000000e+00 : f32
        %broadcast_in_dim3A = vector.broadcast %jit3A : f32 to vector<16xf32>
        %select_n3A_96 = arith.select %eq3A_92, %broadcast_in_dim3A, %select_n3A : vector<16xi1>, vector<16xf32>
        %eq3A_97 = arith.constant 0 : i32
        %eq3A_98 = vector.broadcast %eq3A_97 : i32 to vector<16xi32>
        %eq3A_99 = arith.cmpi eq, %get3A_78, %eq3A_98 : vector<16xi32>
        %eq3A_100 = arith.constant 1 : i32
        %eq3A_101 = vector.broadcast %eq3A_100 : i32 to vector<16xi32>
        %eq3A_102 = arith.cmpi eq, %get3A_78, %eq3A_101 : vector<16xi32>
        %select_n3A_103 = arith.select %eq3A_102, %sub3A_84, %mul3A_87 : vector<16xi1>, vector<16xf32>
        %jit3A_104 = arith.constant 1.000000e+00 : f32
        %broadcast_in_dim3A_105 = vector.broadcast %jit3A_104 : f32 to vector<16xf32>
        %select_n3A_106 = arith.select %eq3A_99, %broadcast_in_dim3A_105, %select_n3A_103 : vector<16xi1>, vector<16xf32>
        %eq3A_107 = arith.constant 0 : i32
        %eq3A_108 = vector.broadcast %eq3A_107 : i32 to vector<16xi32>
        %eq3A_109 = arith.cmpi eq, %get3A_83, %eq3A_108 : vector<16xi32>
        %eq3A_110 = arith.constant 1 : i32
        %eq3A_111 = vector.broadcast %eq3A_110 : i32 to vector<16xi32>
        %eq3A_112 = arith.cmpi eq, %get3A_83, %eq3A_111 : vector<16xi32>
        %select_n3A_113 = arith.select %eq3A_112, %sub3A_85, %mul3A_88 : vector<16xi1>, vector<16xf32>
        %jit3A_114 = arith.constant 1.000000e+00 : f32
        %broadcast_in_dim3A_115 = vector.broadcast %jit3A_114 : f32 to vector<16xf32>
        %select_n3A_116 = arith.select %eq3A_109, %broadcast_in_dim3A_115, %select_n3A_113 : vector<16xi1>, vector<16xf32>
        %mul3A_117 = arith.mulf %get3A_70, %select_n3A_96 : vector<16xf32>
        %mul3A_118 = arith.mulf %select_n3A_106, %select_n3A_116 : vector<16xf32>
        %mul3A_119 = arith.mulf %mul3A_117, %mul3A_118 : vector<16xf32>
        %mul3A_120 = arith.mulf %get3A_65, %add3A_90 : vector<16xf32>
        %exp3A = math.exp %mul3A_120 : vector<16xf32>
        %mul3A_121 = arith.mulf %mul3A_119, %exp3A : vector<16xf32>
        %mul3A_122 = arith.constant 1024 : i32
        %mul3A_123 = arith.muli %scan3A_14, %mul3A_122 : i32
        %add3A_124 = arith.addi %mul3A_123, %mul3A_47 : i32
        %swap3A = arith.index_cast %add3A_124 : i32 to index
        %swap3A_125 = tpu.vector_load %arg9[%swap3A] {strides = array<i32>} : memref<16384xf32, #tpu.memory_space<vmem>>, vector<16xf32>,
        %swap3A_126 = vector.shape_cast %swap3A_125 : vector<16xf32> to vector<16xf32>
        %swap3A_127 = vector.shape_cast %mul3A_121 : vector<16xf32> to vector<16xf32>
        tpu.vector_store %arg9[%swap3A], %swap3A_127 {strides = array<i32>} : memref<16384xf32, #tpu.memory_space<vmem>>, vector<16xf32>,
        %scan3A_128 = arith.constant 1 : i32
        %scan3A_129 = arith.addi %scan3A_45, %scan3A_128 : i32
        %mul3A_130 = arith.constant 16 : i32
        %mul3A_131 = arith.muli %scan3A_129, %mul3A_130 : i32
        %get3A_132 = arith.index_cast %mul3A_131 : i32 to index
        %get3A_133 = tpu.vector_load %arg7[%get3A_132] {strides = array<i32>} : memref<5120xf32, #tpu.memory_space<vmem>>, vector<16xf32>,
        %get3A_134 = vector.shape_cast %get3A_133 : vector<16xf32> to vector<16xf32>
        %add3A_135 = arith.constant 1024 : i32
        %add3A_136 = arith.addi %add3A_135, %mul3A_131 : i32
        %get3A_137 = arith.index_cast %add3A_136 : i32 to index
        %get3A_138 = tpu.vector_load %arg7[%get3A_137] {strides = array<i32>} : memref<5120xf32, #tpu.memory_space<vmem>>, vector<16xf32>,
        %get3A_139 = vector.shape_cast %get3A_138 : vector<16xf32> to vector<16xf32>
        %add3A_140 = arith.constant 2048 : i32
        %add3A_141 = arith.addi %add3A_140, %mul3A_131 : i32
        %get3A_142 = arith.index_cast %add3A_141 : i32 to index
        %get3A_143 = tpu.vector_load %arg7[%get3A_142] {strides = array<i32>} : memref<5120xf32, #tpu.memory_space<vmem>>, vector<16xf32>,
        %get3A_144 = vector.shape_cast %get3A_143 : vector<16xf32> to vector<16xf32>
        %add3A_145 = arith.constant 3072 : i32
        %add3A_146 = arith.addi %add3A_145, %mul3A_131 : i32
        %get3A_147 = arith.index_cast %add3A_146 : i32 to index
        %get3A_148 = tpu.vector_load %arg7[%get3A_147] {strides = array<i32>} : memref<5120xf32, #tpu.memory_space<vmem>>, vector<16xf32>,
        %get3A_149 = vector.shape_cast %get3A_148 : vector<16xf32> to vector<16xf32>
        %add3A_150 = arith.constant 4096 : i32
        %add3A_151 = arith.addi %add3A_150, %mul3A_131 : i32
        %get3A_152 = arith.index_cast %add3A_151 : i32 to index
        %get3A_153 = tpu.vector_load %arg7[%get3A_152] {strides = array<i32>} : memref<5120xf32, #tpu.memory_space<vmem>>, vector<16xf32>,
        %get3A_154 = vector.shape_cast %get3A_153 : vector<16xf32> to vector<16xf32>
        %get3A_155 = arith.index_cast %mul3A_131 : i32 to index
        %get3A_156 = tpu.vector_load %arg8[%get3A_155] {strides = array<i32>} : memref<3072xi32, #tpu.memory_space<vmem>>, vector<16xi32>,
        %get3A_157 = vector.shape_cast %get3A_156 : vector<16xi32> to vector<16xi32>
        %add3A_158 = arith.constant 1024 : i32
        %add3A_159 = arith.addi %add3A_158, %mul3A_131 : i32
        %get3A_160 = arith.index_cast %add3A_159 : i32 to index
        %get3A_161 = tpu.vector_load %arg8[%get3A_160] {strides = array<i32>} : memref<3072xi32, #tpu.memory_space<vmem>>, vector<16xi32>,
        %get3A_162 = vector.shape_cast %get3A_161 : vector<16xi32> to vector<16xi32>
        %add3A_163 = arith.constant 2048 : i32
        %add3A_164 = arith.addi %add3A_163, %mul3A_131 : i32
        %get3A_165 = arith.index_cast %add3A_164 : i32 to index
        %get3A_166 = tpu.vector_load %arg8[%get3A_165] {strides = array<i32>} : memref<3072xi32, #tpu.memory_space<vmem>>, vector<16xi32>,
        %get3A_167 = vector.shape_cast %get3A_166 : vector<16xi32> to vector<16xi32>
        %sub3A_168 = arith.subf %get3A_20, %get3A_134 : vector<16xf32>
        %sub3A_169 = arith.subf %get3A_29, %get3A_139 : vector<16xf32>
        %sub3A_170 = arith.subf %get3A_38, %get3A_144 : vector<16xf32>
        %mul3A_171 = arith.mulf %sub3A_168, %sub3A_168 : vector<16xf32>
        %mul3A_172 = arith.mulf %sub3A_169, %sub3A_169 : vector<16xf32>
        %mul3A_173 = arith.mulf %sub3A_170, %sub3A_170 : vector<16xf32>
        %add3A_174 = arith.addf %mul3A_171, %mul3A_172 : vector<16xf32>
        %add3A_175 = arith.addf %add3A_174, %mul3A_173 : vector<16xf32>
        %eq3A_176 = arith.constant 0 : i32
        %eq3A_177 = vector.broadcast %eq3A_176 : i32 to vector<16xi32>
        %eq3A_178 = arith.cmpi eq, %get3A_157, %eq3A_177 : vector<16xi32>
        %eq3A_179 = arith.constant 1 : i32
        %eq3A_180 = vector.broadcast %eq3A_179 : i32 to vector<16xi32>
        %eq3A_181 = arith.cmpi eq, %get3A_157, %eq3A_180 : vector<16xi32>
        %select_n3A_182 = arith.select %eq3A_181, %sub3A_168, %mul3A_171 : vector<16xi1>, vector<16xf32>
        %jit3A_183 = arith.constant 1.000000e+00 : f32
        %broadcast_in_dim3A_184 = vector.broadcast %jit3A_183 : f32 to vector<16xf32>
        %select_n3A_185 = arith.select %eq3A_178, %broadcast_in_dim3A_184, %select_n3A_182 : vector<16xi1>, vector<16xf32>
        %eq3A_186 = arith.constant 0 : i32
        %eq3A_187 = vector.broadcast %eq3A_186 : i32 to vector<16xi32>
        %eq3A_188 = arith.cmpi eq, %get3A_162, %eq3A_187 : vector<16xi32>
        %eq3A_189 = arith.constant 1 : i32
        %eq3A_190 = vector.broadcast %eq3A_189 : i32 to vector<16xi32>
        %eq3A_191 = arith.cmpi eq, %get3A_162, %eq3A_190 : vector<16xi32>
        %select_n3A_192 = arith.select %eq3A_191, %sub3A_169, %mul3A_172 : vector<16xi1>, vector<16xf32>
        %jit3A_193 = arith.constant 1.000000e+00 : f32
        %broadcast_in_dim3A_194 = vector.broadcast %jit3A_193 : f32 to vector<16xf32>
        %select_n3A_195 = arith.select %eq3A_188, %broadcast_in_dim3A_194, %select_n3A_192 : vector<16xi1>, vector<16xf32>
        %eq3A_196 = arith.constant 0 : i32
        %eq3A_197 = vector.broadcast %eq3A_196 : i32 to vector<16xi32>
        %eq3A_198 = arith.cmpi eq, %get3A_167, %eq3A_197 : vector<16xi32>
        %eq3A_199 = arith.constant 1 : i32
        %eq3A_200 = vector.broadcast %eq3A_199 : i32 to vector<16xi32>
        %eq3A_201 = arith.cmpi eq, %get3A_167, %eq3A_200 : vector<16xi32>
        %select_n3A_202 = arith.select %eq3A_201, %sub3A_170, %mul3A_173 : vector<16xi1>, vector<16xf32>
        %jit3A_203 = arith.constant 1.000000e+00 : f32
        %broadcast_in_dim3A_204 = vector.broadcast %jit3A_203 : f32 to vector<16xf32>
        %select_n3A_205 = arith.select %eq3A_198, %broadcast_in_dim3A_204, %select_n3A_202 : vector<16xi1>, vector<16xf32>
        %mul3A_206 = arith.mulf %get3A_154, %select_n3A_185 : vector<16xf32>
        %mul3A_207 = arith.mulf %select_n3A_195, %select_n3A_205 : vector<16xf32>
        %mul3A_208 = arith.mulf %mul3A_206, %mul3A_207 : vector<16xf32>
        %mul3A_209 = arith.mulf %get3A_149, %add3A_175 : vector<16xf32>
        %exp3A_210 = math.exp %mul3A_209 : vector<16xf32>
        %mul3A_211 = arith.mulf %mul3A_208, %exp3A_210 : vector<16xf32>
        %mul3A_212 = arith.constant 1024 : i32
        %mul3A_213 = arith.muli %scan3A_14, %mul3A_212 : i32
        %add3A_214 = arith.addi %mul3A_213, %mul3A_131 : i32
        %swap3A_215 = arith.index_cast %add3A_214 : i32 to index
        %swap3A_216 = tpu.vector_load %arg9[%swap3A_215] {strides = array<i32>} : memref<16384xf32, #tpu.memory_space<vmem>>, vector<16xf32>,
        %swap3A_217 = vector.shape_cast %swap3A_216 : vector<16xf32> to vector<16xf32>
        %swap3A_218 = vector.shape_cast %mul3A_211 : vector<16xf32> to vector<16xf32>
        tpu.vector_store %arg9[%swap3A_215], %swap3A_218 {strides = array<i32>} : memref<16384xf32, #tpu.memory_space<vmem>>, vector<16xf32>,
        %scan3A_219 = arith.constant 2 : i32
        %scan3A_220 = arith.addi %scan3A_45, %scan3A_219 : i32
        %mul3A_221 = arith.constant 16 : i32
        %mul3A_222 = arith.muli %scan3A_220, %mul3A_221 : i32
        %get3A_223 = arith.index_cast %mul3A_222 : i32 to index
        %get3A_224 = tpu.vector_load %arg7[%get3A_223] {strides = array<i32>} : memref<5120xf32, #tpu.memory_space<vmem>>, vector<16xf32>,
        %get3A_225 = vector.shape_cast %get3A_224 : vector<16xf32> to vector<16xf32>
        %add3A_226 = arith.constant 1024 : i32
        %add3A_227 = arith.addi %add3A_226, %mul3A_222 : i32
        %get3A_228 = arith.index_cast %add3A_227 : i32 to index
        %get3A_229 = tpu.vector_load %arg7[%get3A_228] {strides = array<i32>} : memref<5120xf32, #tpu.memory_space<vmem>>, vector<16xf32>,
        %get3A_230 = vector.shape_cast %get3A_229 : vector<16xf32> to vector<16xf32>
        %add3A_231 = arith.constant 2048 : i32
        %add3A_232 = arith.addi %add3A_231, %mul3A_222 : i32
        %get3A_233 = arith.index_cast %add3A_232 : i32 to index
        %get3A_234 = tpu.vector_load %arg7[%get3A_233] {strides = array<i32>} : memref<5120xf32, #tpu.memory_space<vmem>>, vector<16xf32>,
        %get3A_235 = vector.shape_cast %get3A_234 : vector<16xf32> to vector<16xf32>
        %add3A_236 = arith.constant 3072 : i32
        %add3A_237 = arith.addi %add3A_236, %mul3A_222 : i32
        %get3A_238 = arith.index_cast %add3A_237 : i32 to index
        %get3A_239 = tpu.vector_load %arg7[%get3A_238] {strides = array<i32>} : memref<5120xf32, #tpu.memory_space<vmem>>, vector<16xf32>,
        %get3A_240 = vector.shape_cast %get3A_239 : vector<16xf32> to vector<16xf32>
        %add3A_241 = arith.constant 4096 : i32
        %add3A_242 = arith.addi %add3A_241, %mul3A_222 : i32
        %get3A_243 = arith.index_cast %add3A_242 : i32 to index
        %get3A_244 = tpu.vector_load %arg7[%get3A_243] {strides = array<i32>} : memref<5120xf32, #tpu.memory_space<vmem>>, vector<16xf32>,
        %get3A_245 = vector.shape_cast %get3A_244 : vector<16xf32> to vector<16xf32>
        %get3A_246 = arith.index_cast %mul3A_222 : i32 to index
        %get3A_247 = tpu.vector_load %arg8[%get3A_246] {strides = array<i32>} : memref<3072xi32, #tpu.memory_space<vmem>>, vector<16xi32>,
        %get3A_248 = vector.shape_cast %get3A_247 : vector<16xi32> to vector<16xi32>
        %add3A_249 = arith.constant 1024 : i32
        %add3A_250 = arith.addi %add3A_249, %mul3A_222 : i32
        %get3A_251 = arith.index_cast %add3A_250 : i32 to index
        %get3A_252 = tpu.vector_load %arg8[%get3A_251] {strides = array<i32>} : memref<3072xi32, #tpu.memory_space<vmem>>, vector<16xi32>,
        %get3A_253 = vector.shape_cast %get3A_252 : vector<16xi32> to vector<16xi32>
        %add3A_254 = arith.constant 2048 : i32
        %add3A_255 = arith.addi %add3A_254, %mul3A_222 : i32
        %get3A_256 = arith.index_cast %add3A_255 : i32 to index
        %get3A_257 = tpu.vector_load %arg8[%get3A_256] {strides = array<i32>} : memref<3072xi32, #tpu.memory_space<vmem>>, vector<16xi32>,
        %get3A_258 = vector.shape_cast %get3A_257 : vector<16xi32> to vector<16xi32>
        %sub3A_259 = arith.subf %get3A_20, %get3A_225 : vector<16xf32>
        %sub3A_260 = arith.subf %get3A_29, %get3A_230 : vector<16xf32>
        %sub3A_261 = arith.subf %get3A_38, %get3A_235 : vector<16xf32>
        %mul3A_262 = arith.mulf %sub3A_259, %sub3A_259 : vector<16xf32>
        %mul3A_263 = arith.mulf %sub3A_260, %sub3A_260 : vector<16xf32>
        %mul3A_264 = arith.mulf %sub3A_261, %sub3A_261 : vector<16xf32>
        %add3A_265 = arith.addf %mul3A_262, %mul3A_263 : vector<16xf32>
        %add3A_266 = arith.addf %add3A_265, %mul3A_264 : vector<16xf32>
        %eq3A_267 = arith.constant 0 : i32
        %eq3A_268 = vector.broadcast %eq3A_267 : i32 to vector<16xi32>
        %eq3A_269 = arith.cmpi eq, %get3A_248, %eq3A_268 : vector<16xi32>
        %eq3A_270 = arith.constant 1 : i32
        %eq3A_271 = vector.broadcast %eq3A_270 : i32 to vector<16xi32>
        %eq3A_272 = arith.cmpi eq, %get3A_248, %eq3A_271 : vector<16xi32>
        %select_n3A_273 = arith.select %eq3A_272, %sub3A_259, %mul3A_262 : vector<16xi1>, vector<16xf32>
        %jit3A_274 = arith.constant 1.000000e+00 : f32
        %broadcast_in_dim3A_275 = vector.broadcast %jit3A_274 : f32 to vector<16xf32>
        %select_n3A_276 = arith.select %eq3A_269, %broadcast_in_dim3A_275, %select_n3A_273 : vector<16xi1>, vector<16xf32>
        %eq3A_277 = arith.constant 0 : i32
        %eq3A_278 = vector.broadcast %eq3A_277 : i32 to vector<16xi32>
        %eq3A_279 = arith.cmpi eq, %get3A_253, %eq3A_278 : vector<16xi32>
        %eq3A_280 = arith.constant 1 : i32
        %eq3A_281 = vector.broadcast %eq3A_280 : i32 to vector<16xi32>
        %eq3A_282 = arith.cmpi eq, %get3A_253, %eq3A_281 : vector<16xi32>
        %select_n3A_283 = arith.select %eq3A_282, %sub3A_260, %mul3A_263 : vector<16xi1>, vector<16xf32>
        %jit3A_284 = arith.constant 1.000000e+00 : f32
        %broadcast_in_dim3A_285 = vector.broadcast %jit3A_284 : f32 to vector<16xf32>
        %select_n3A_286 = arith.select %eq3A_279, %broadcast_in_dim3A_285, %select_n3A_283 : vector<16xi1>, vector<16xf32>
        %eq3A_287 = arith.constant 0 : i32
        %eq3A_288 = vector.broadcast %eq3A_287 : i32 to vector<16xi32>
        %eq3A_289 = arith.cmpi eq, %get3A_258, %eq3A_288 : vector<16xi32>
        %eq3A_290 = arith.constant 1 : i32
        %eq3A_291 = vector.broadcast %eq3A_290 : i32 to vector<16xi32>
        %eq3A_292 = arith.cmpi eq, %get3A_258, %eq3A_291 : vector<16xi32>
        %select_n3A_293 = arith.select %eq3A_292, %sub3A_261, %mul3A_264 : vector<16xi1>, vector<16xf32>
        %jit3A_294 = arith.constant 1.000000e+00 : f32
        %broadcast_in_dim3A_295 = vector.broadcast %jit3A_294 : f32 to vector<16xf32>
        %select_n3A_296 = arith.select %eq3A_289, %broadcast_in_dim3A_295, %select_n3A_293 : vector<16xi1>, vector<16xf32>
        %mul3A_297 = arith.mulf %get3A_245, %select_n3A_276 : vector<16xf32>
        %mul3A_298 = arith.mulf %select_n3A_286, %select_n3A_296 : vector<16xf32>
        %mul3A_299 = arith.mulf %mul3A_297, %mul3A_298 : vector<16xf32>
        %mul3A_300 = arith.mulf %get3A_240, %add3A_266 : vector<16xf32>
        %exp3A_301 = math.exp %mul3A_300 : vector<16xf32>
        %mul3A_302 = arith.mulf %mul3A_299, %exp3A_301 : vector<16xf32>
        %mul3A_303 = arith.constant 1024 : i32
        %mul3A_304 = arith.muli %scan3A_14, %mul3A_303 : i32
        %add3A_305 = arith.addi %mul3A_304, %mul3A_222 : i32
        %swap3A_306 = arith.index_cast %add3A_305 : i32 to index
        %swap3A_307 = tpu.vector_load %arg9[%swap3A_306] {strides = array<i32>} : memref<16384xf32, #tpu.memory_space<vmem>>, vector<16xf32>,
        %swap3A_308 = vector.shape_cast %swap3A_307 : vector<16xf32> to vector<16xf32>
        %swap3A_309 = vector.shape_cast %mul3A_302 : vector<16xf32> to vector<16xf32>
        tpu.vector_store %arg9[%swap3A_306], %swap3A_309 {strides = array<i32>} : memref<16384xf32, #tpu.memory_space<vmem>>, vector<16xf32>,
        %scan3A_310 = arith.constant 3 : i32
        %scan3A_311 = arith.addi %scan3A_45, %scan3A_310 : i32
        %mul3A_312 = arith.constant 16 : i32
        %mul3A_313 = arith.muli %scan3A_311, %mul3A_312 : i32
        %get3A_314 = arith.index_cast %mul3A_313 : i32 to index
        %get3A_315 = tpu.vector_load %arg7[%get3A_314] {strides = array<i32>} : memref<5120xf32, #tpu.memory_space<vmem>>, vector<16xf32>,
        %get3A_316 = vector.shape_cast %get3A_315 : vector<16xf32> to vector<16xf32>
        %add3A_317 = arith.constant 1024 : i32
        %add3A_318 = arith.addi %add3A_317, %mul3A_313 : i32
        %get3A_319 = arith.index_cast %add3A_318 : i32 to index
        %get3A_320 = tpu.vector_load %arg7[%get3A_319] {strides = array<i32>} : memref<5120xf32, #tpu.memory_space<vmem>>, vector<16xf32>,
        %get3A_321 = vector.shape_cast %get3A_320 : vector<16xf32> to vector<16xf32>
        %add3A_322 = arith.constant 2048 : i32
        %add3A_323 = arith.addi %add3A_322, %mul3A_313 : i32
        %get3A_324 = arith.index_cast %add3A_323 : i32 to index
        %get3A_325 = tpu.vector_load %arg7[%get3A_324] {strides = array<i32>} : memref<5120xf32, #tpu.memory_space<vmem>>, vector<16xf32>,
        %get3A_326 = vector.shape_cast %get3A_325 : vector<16xf32> to vector<16xf32>
        %add3A_327 = arith.constant 3072 : i32
        %add3A_328 = arith.addi %add3A_327, %mul3A_313 : i32
        %get3A_329 = arith.index_cast %add3A_328 : i32 to index
        %get3A_330 = tpu.vector_load %arg7[%get3A_329] {strides = array<i32>} : memref<5120xf32, #tpu.memory_space<vmem>>, vector<16xf32>,
        %get3A_331 = vector.shape_cast %get3A_330 : vector<16xf32> to vector<16xf32>
        %add3A_332 = arith.constant 4096 : i32
        %add3A_333 = arith.addi %add3A_332, %mul3A_313 : i32
        %get3A_334 = arith.index_cast %add3A_333 : i32 to index
        %get3A_335 = tpu.vector_load %arg7[%get3A_334] {strides = array<i32>} : memref<5120xf32, #tpu.memory_space<vmem>>, vector<16xf32>,
        %get3A_336 = vector.shape_cast %get3A_335 : vector<16xf32> to vector<16xf32>
        %get3A_337 = arith.index_cast %mul3A_313 : i32 to index
        %get3A_338 = tpu.vector_load %arg8[%get3A_337] {strides = array<i32>} : memref<3072xi32, #tpu.memory_space<vmem>>, vector<16xi32>,
        %get3A_339 = vector.shape_cast %get3A_338 : vector<16xi32> to vector<16xi32>
        %add3A_340 = arith.constant 1024 : i32
        %add3A_341 = arith.addi %add3A_340, %mul3A_313 : i32
        %get3A_342 = arith.index_cast %add3A_341 : i32 to index
        %get3A_343 = tpu.vector_load %arg8[%get3A_342] {strides = array<i32>} : memref<3072xi32, #tpu.memory_space<vmem>>, vector<16xi32>,
        %get3A_344 = vector.shape_cast %get3A_343 : vector<16xi32> to vector<16xi32>
        %add3A_345 = arith.constant 2048 : i32
        %add3A_346 = arith.addi %add3A_345, %mul3A_313 : i32
        %get3A_347 = arith.index_cast %add3A_346 : i32 to index
        %get3A_348 = tpu.vector_load %arg8[%get3A_347] {strides = array<i32>} : memref<3072xi32, #tpu.memory_space<vmem>>, vector<16xi32>,
        %get3A_349 = vector.shape_cast %get3A_348 : vector<16xi32> to vector<16xi32>
        %sub3A_350 = arith.subf %get3A_20, %get3A_316 : vector<16xf32>
        %sub3A_351 = arith.subf %get3A_29, %get3A_321 : vector<16xf32>
        %sub3A_352 = arith.subf %get3A_38, %get3A_326 : vector<16xf32>
        %mul3A_353 = arith.mulf %sub3A_350, %sub3A_350 : vector<16xf32>
        %mul3A_354 = arith.mulf %sub3A_351, %sub3A_351 : vector<16xf32>
        %mul3A_355 = arith.mulf %sub3A_352, %sub3A_352 : vector<16xf32>
        %add3A_356 = arith.addf %mul3A_353, %mul3A_354 : vector<16xf32>
        %add3A_357 = arith.addf %add3A_356, %mul3A_355 : vector<16xf32>
        %eq3A_358 = arith.constant 0 : i32
        %eq3A_359 = vector.broadcast %eq3A_358 : i32 to vector<16xi32>
        %eq3A_360 = arith.cmpi eq, %get3A_339, %eq3A_359 : vector<16xi32>
        %eq3A_361 = arith.constant 1 : i32
        %eq3A_362 = vector.broadcast %eq3A_361 : i32 to vector<16xi32>
        %eq3A_363 = arith.cmpi eq, %get3A_339, %eq3A_362 : vector<16xi32>
        %select_n3A_364 = arith.select %eq3A_363, %sub3A_350, %mul3A_353 : vector<16xi1>, vector<16xf32>
        %jit3A_365 = arith.constant 1.000000e+00 : f32
        %broadcast_in_dim3A_366 = vector.broadcast %jit3A_365 : f32 to vector<16xf32>
        %select_n3A_367 = arith.select %eq3A_360, %broadcast_in_dim3A_366, %select_n3A_364 : vector<16xi1>, vector<16xf32>
        %eq3A_368 = arith.constant 0 : i32
        %eq3A_369 = vector.broadcast %eq3A_368 : i32 to vector<16xi32>
        %eq3A_370 = arith.cmpi eq, %get3A_344, %eq3A_369 : vector<16xi32>
        %eq3A_371 = arith.constant 1 : i32
        %eq3A_372 = vector.broadcast %eq3A_371 : i32 to vector<16xi32>
        %eq3A_373 = arith.cmpi eq, %get3A_344, %eq3A_372 : vector<16xi32>
        %select_n3A_374 = arith.select %eq3A_373, %sub3A_351, %mul3A_354 : vector<16xi1>, vector<16xf32>
        %jit3A_375 = arith.constant 1.000000e+00 : f32
        %broadcast_in_dim3A_376 = vector.broadcast %jit3A_375 : f32 to vector<16xf32>
        %select_n3A_377 = arith.select %eq3A_370, %broadcast_in_dim3A_376, %select_n3A_374 : vector<16xi1>, vector<16xf32>
        %eq3A_378 = arith.constant 0 : i32
        %eq3A_379 = vector.broadcast %eq3A_378 : i32 to vector<16xi32>
        %eq3A_380 = arith.cmpi eq, %get3A_349, %eq3A_379 : vector<16xi32>
        %eq3A_381 = arith.constant 1 : i32
        %eq3A_382 = vector.broadcast %eq3A_381 : i32 to vector<16xi32>
        %eq3A_383 = arith.cmpi eq, %get3A_349, %eq3A_382 : vector<16xi32>
        %select_n3A_384 = arith.select %eq3A_383, %sub3A_352, %mul3A_355 : vector<16xi1>, vector<16xf32>
        %jit3A_385 = arith.constant 1.000000e+00 : f32
        %broadcast_in_dim3A_386 = vector.broadcast %jit3A_385 : f32 to vector<16xf32>
        %select_n3A_387 = arith.select %eq3A_380, %broadcast_in_dim3A_386, %select_n3A_384 : vector<16xi1>, vector<16xf32>
        %mul3A_388 = arith.mulf %get3A_336, %select_n3A_367 : vector<16xf32>
        %mul3A_389 = arith.mulf %select_n3A_377, %select_n3A_387 : vector<16xf32>
        %mul3A_390 = arith.mulf %mul3A_388, %mul3A_389 : vector<16xf32>
        %mul3A_391 = arith.mulf %get3A_331, %add3A_357 : vector<16xf32>
        %exp3A_392 = math.exp %mul3A_391 : vector<16xf32>
        %mul3A_393 = arith.mulf %mul3A_390, %exp3A_392 : vector<16xf32>
        %mul3A_394 = arith.constant 1024 : i32
        %mul3A_395 = arith.muli %scan3A_14, %mul3A_394 : i32
        %add3A_396 = arith.addi %mul3A_395, %mul3A_313 : i32
        %swap3A_397 = arith.index_cast %add3A_396 : i32 to index
        %swap3A_398 = tpu.vector_load %arg9[%swap3A_397] {strides = array<i32>} : memref<16384xf32, #tpu.memory_space<vmem>>, vector<16xf32>,
        %swap3A_399 = vector.shape_cast %swap3A_398 : vector<16xf32> to vector<16xf32>
        %swap3A_400 = vector.shape_cast %mul3A_393 : vector<16xf32> to vector<16xf32>
        tpu.vector_store %arg9[%swap3A_397], %swap3A_400 {strides = array<i32>} : memref<16384xf32, #tpu.memory_space<vmem>>, vector<16xf32>,
      }
      %scan3A_44 = arith.constant 64 : i32
    }
    %scan3A_11 = arith.constant 16 : i32
    %mul3A_12 = arith.constant 1024 : i32
    %mul3A_13 = arith.muli %mul3A_2, %mul3A_12 : i32
    "tpu.region"() ({
      %run_scoped3A = tpu.sem_alloc : memref<!tpu.dma_semaphore, #tpu.memory_space<semaphore_mem>>
      %dma_start3A = tpu.memref_slice %arg5[%mul3A_13] : memref<524288xf32, #tpu.memory_space<hbm>> -> memref<16384xf32, #tpu.memory_space<hbm>>
      %dma_start3A_14 = tpu.memref_slice %arg5[%mul3A_13] : memref<524288xf32, #tpu.memory_space<hbm>> -> memref<16384xf32, #tpu.memory_space<hbm>>
      tpu.enqueue_dma source(%arg9 : memref<16384xf32, #tpu.memory_space<vmem>>) target(%dma_start3A_14 : memref<16384xf32, #tpu.memory_space<hbm>>) target_semaphore(%run_scoped3A : memref<!tpu.dma_semaphore, #tpu.memory_space<semaphore_mem>>)
      %dma_wait3A = tpu.memref_slice %arg5[%mul3A_13] : memref<524288xf32, #tpu.memory_space<hbm>> -> memref<16384xf32, #tpu.memory_space<hbm>>
      %dma_wait3A_15 = tpu.memref_slice %arg5[%mul3A_13] : memref<524288xf32, #tpu.memory_space<hbm>> -> memref<16384xf32, #tpu.memory_space<hbm>>
      tpu.wait_dma2 semaphore(%run_scoped3A : memref<!tpu.dma_semaphore, #tpu.memory_space<semaphore_mem>>) src(%arg9 : memref<16384xf32, #tpu.memory_space<vmem>>) dst(%dma_wait3A_15 : memref<16384xf32, #tpu.memory_space<hbm>>)
      tpu.yield
    }) : () -> ()
    return
  }
}

module attributes {stable_mosaic.version = 14 : i64} {
  func.func @_basis_block(%arg0: i32, %arg1: memref<512x3xf32, #tpu.memory_space<vmem>>, %arg2: memref<1x1024xf32, #tpu.memory_space<vmem>>, %arg3: memref<3x1024xf32, #tpu.memory_space<vmem>>, %arg4: memref<1x1024xf32, #tpu.memory_space<vmem>>, %arg5: memref<3x1024xi32, #tpu.memory_space<vmem>>, %arg6: memref<1x1024xi32, #tpu.memory_space<vmem>>, %arg7: memref<512x256xf32, #tpu.memory_space<vmem>>) attributes {dimension_semantics = [#tpu.dimension_semantics<parallel>], iteration_bounds = array<i64: 15>, scalar_prefetch = 0 : i64, scratch_operands = 0 : i64, tpu.core_type = #tpu.core_type<tc>, window_params = [{transform_indices = @transform_0, window_bounds = array<i64: 512, 3>}, {pipeline_mode = #tpu.pipeline_mode<synchronous>, transform_indices = @transform_1, window_bounds = array<i64: 1, 1024>}, {pipeline_mode = #tpu.pipeline_mode<synchronous>, transform_indices = @transform_2, window_bounds = array<i64: 3, 1024>}, {pipeline_mode = #tpu.pipeline_mode<synchronous>, transform_indices = @transform_3, window_bounds = array<i64: 1, 1024>}, {pipeline_mode = #tpu.pipeline_mode<synchronous>, transform_indices = @transform_4, window_bounds = array<i64: 3, 1024>}, {pipeline_mode = #tpu.pipeline_mode<synchronous>, transform_indices = @transform_5, window_bounds = array<i64: 1, 1024>}, {transform_indices = @transform_6, window_bounds = array<i64: 512, 256>}]} {
    %get3A = arith.constant 0 : index
    %get3A_0 = arith.constant 0 : index
    %get3A_1 = vector.load %arg1[%get3A, %get3A_0] : memref<512x3xf32, #tpu.memory_space<vmem>>, vector<512x3xf32>
    %slice3A = vector.extract_strided_slice %get3A_1 {offsets = [0, 0], sizes = [512, 1], strides = [1, 1]} : vector<512x3xf32> to vector<512x1xf32>
    %slice3A_2 = vector.extract_strided_slice %get3A_1 {offsets = [0, 1], sizes = [512, 1], strides = [1, 1]} : vector<512x3xf32> to vector<512x1xf32>
    %slice3A_3 = vector.extract_strided_slice %get3A_1 {offsets = [0, 2], sizes = [512, 1], strides = [1, 1]} : vector<512x3xf32> to vector<512x1xf32>
    %get3A_4 = arith.constant 0 : index
    %get3A_5 = arith.constant 0 : index
    %get3A_6 = vector.load %arg3[%get3A_4, %get3A_5] : memref<3x1024xf32, #tpu.memory_space<vmem>>, vector<1x1024xf32>
    %get3A_7 = arith.constant 1 : index
    %get3A_8 = arith.constant 0 : index
    %get3A_9 = vector.load %arg3[%get3A_7, %get3A_8] : memref<3x1024xf32, #tpu.memory_space<vmem>>, vector<1x1024xf32>
    %get3A_10 = arith.constant 2 : index
    %get3A_11 = arith.constant 0 : index
    %get3A_12 = vector.load %arg3[%get3A_10, %get3A_11] : memref<3x1024xf32, #tpu.memory_space<vmem>>, vector<1x1024xf32>
    %sub3A = vector.broadcast %slice3A : vector<512x1xf32> to vector<512x1024xf32>
    %sub3A_13 = vector.broadcast %get3A_6 : vector<1x1024xf32> to vector<512x1024xf32>
    %sub3A_14 = arith.subf %sub3A, %sub3A_13 : vector<512x1024xf32>
    %sub3A_15 = vector.broadcast %slice3A_2 : vector<512x1xf32> to vector<512x1024xf32>
    %sub3A_16 = vector.broadcast %get3A_9 : vector<1x1024xf32> to vector<512x1024xf32>
    %sub3A_17 = arith.subf %sub3A_15, %sub3A_16 : vector<512x1024xf32>
    %sub3A_18 = vector.broadcast %slice3A_3 : vector<512x1xf32> to vector<512x1024xf32>
    %sub3A_19 = vector.broadcast %get3A_12 : vector<1x1024xf32> to vector<512x1024xf32>
    %sub3A_20 = arith.subf %sub3A_18, %sub3A_19 : vector<512x1024xf32>
    %mul3A = arith.mulf %sub3A_14, %sub3A_14 : vector<512x1024xf32>
    %mul3A_21 = arith.mulf %sub3A_17, %sub3A_17 : vector<512x1024xf32>
    %mul3A_22 = arith.mulf %sub3A_20, %sub3A_20 : vector<512x1024xf32>
    %add3A = arith.addf %mul3A, %mul3A_21 : vector<512x1024xf32>
    %add3A_23 = arith.addf %add3A, %mul3A_22 : vector<512x1024xf32>
    %get3A_24 = arith.constant 0 : index
    %get3A_25 = arith.constant 0 : index
    %get3A_26 = vector.load %arg5[%get3A_24, %get3A_25] : memref<3x1024xi32, #tpu.memory_space<vmem>>, vector<1x1024xi32>
    %get3A_27 = arith.constant 1 : index
    %get3A_28 = arith.constant 0 : index
    %get3A_29 = vector.load %arg5[%get3A_27, %get3A_28] : memref<3x1024xi32, #tpu.memory_space<vmem>>, vector<1x1024xi32>
    %get3A_30 = arith.constant 2 : index
    %get3A_31 = arith.constant 0 : index
    %get3A_32 = vector.load %arg5[%get3A_30, %get3A_31] : memref<3x1024xi32, #tpu.memory_space<vmem>>, vector<1x1024xi32>
    %eq3A = arith.constant 0 : i32
    %eq3A_33 = vector.broadcast %eq3A : i32 to vector<1x1024xi32>
    %eq3A_34 = arith.cmpi eq, %get3A_26, %eq3A_33 : vector<1x1024xi32>
    %eq3A_35 = arith.constant 1 : i32
    %eq3A_36 = vector.broadcast %eq3A_35 : i32 to vector<1x1024xi32>
    %eq3A_37 = arith.cmpi eq, %get3A_26, %eq3A_36 : vector<1x1024xi32>
    %broadcast_in_dim3A = vector.shape_cast %eq3A_37 : vector<1x1024xi1> to vector<1x1024xi1>
    %broadcast_in_dim3A_38 = vector.broadcast %broadcast_in_dim3A : vector<1x1024xi1> to vector<512x1024xi1>
    %select_n3A = arith.select %broadcast_in_dim3A_38, %sub3A_14, %mul3A : vector<512x1024xi1>, vector<512x1024xf32>
    %jit3A = arith.constant 1.000000e+00 : f32
    %broadcast_in_dim3A_39 = vector.shape_cast %eq3A_34 : vector<1x1024xi1> to vector<1x1024xi1>
    %broadcast_in_dim3A_40 = vector.broadcast %broadcast_in_dim3A_39 : vector<1x1024xi1> to vector<512x1024xi1>
    %broadcast_in_dim3A_41 = vector.broadcast %jit3A : f32 to vector<512x1024xf32>
    %select_n3A_42 = arith.select %broadcast_in_dim3A_40, %broadcast_in_dim3A_41, %select_n3A : vector<512x1024xi1>, vector<512x1024xf32>
    %eq3A_43 = arith.constant 0 : i32
    %eq3A_44 = vector.broadcast %eq3A_43 : i32 to vector<1x1024xi32>
    %eq3A_45 = arith.cmpi eq, %get3A_29, %eq3A_44 : vector<1x1024xi32>
    %eq3A_46 = arith.constant 1 : i32
    %eq3A_47 = vector.broadcast %eq3A_46 : i32 to vector<1x1024xi32>
    %eq3A_48 = arith.cmpi eq, %get3A_29, %eq3A_47 : vector<1x1024xi32>
    %broadcast_in_dim3A_49 = vector.shape_cast %eq3A_48 : vector<1x1024xi1> to vector<1x1024xi1>
    %broadcast_in_dim3A_50 = vector.broadcast %broadcast_in_dim3A_49 : vector<1x1024xi1> to vector<512x1024xi1>
    %select_n3A_51 = arith.select %broadcast_in_dim3A_50, %sub3A_17, %mul3A_21 : vector<512x1024xi1>, vector<512x1024xf32>
    %jit3A_52 = arith.constant 1.000000e+00 : f32
    %broadcast_in_dim3A_53 = vector.shape_cast %eq3A_45 : vector<1x1024xi1> to vector<1x1024xi1>
    %broadcast_in_dim3A_54 = vector.broadcast %broadcast_in_dim3A_53 : vector<1x1024xi1> to vector<512x1024xi1>
    %broadcast_in_dim3A_55 = vector.broadcast %jit3A_52 : f32 to vector<512x1024xf32>
    %select_n3A_56 = arith.select %broadcast_in_dim3A_54, %broadcast_in_dim3A_55, %select_n3A_51 : vector<512x1024xi1>, vector<512x1024xf32>
    %eq3A_57 = arith.constant 0 : i32
    %eq3A_58 = vector.broadcast %eq3A_57 : i32 to vector<1x1024xi32>
    %eq3A_59 = arith.cmpi eq, %get3A_32, %eq3A_58 : vector<1x1024xi32>
    %eq3A_60 = arith.constant 1 : i32
    %eq3A_61 = vector.broadcast %eq3A_60 : i32 to vector<1x1024xi32>
    %eq3A_62 = arith.cmpi eq, %get3A_32, %eq3A_61 : vector<1x1024xi32>
    %broadcast_in_dim3A_63 = vector.shape_cast %eq3A_62 : vector<1x1024xi1> to vector<1x1024xi1>
    %broadcast_in_dim3A_64 = vector.broadcast %broadcast_in_dim3A_63 : vector<1x1024xi1> to vector<512x1024xi1>
    %select_n3A_65 = arith.select %broadcast_in_dim3A_64, %sub3A_20, %mul3A_22 : vector<512x1024xi1>, vector<512x1024xf32>
    %jit3A_66 = arith.constant 1.000000e+00 : f32
    %broadcast_in_dim3A_67 = vector.shape_cast %eq3A_59 : vector<1x1024xi1> to vector<1x1024xi1>
    %broadcast_in_dim3A_68 = vector.broadcast %broadcast_in_dim3A_67 : vector<1x1024xi1> to vector<512x1024xi1>
    %broadcast_in_dim3A_69 = vector.broadcast %jit3A_66 : f32 to vector<512x1024xf32>
    %select_n3A_70 = arith.select %broadcast_in_dim3A_68, %broadcast_in_dim3A_69, %select_n3A_65 : vector<512x1024xi1>, vector<512x1024xf32>
    %get3A_71 = arith.constant 0 : index
    %get3A_72 = arith.constant 0 : index
    %get3A_73 = vector.load %arg4[%get3A_71, %get3A_72] : memref<1x1024xf32, #tpu.memory_space<vmem>>, vector<1x1024xf32>
    %mul3A_74 = vector.broadcast %get3A_73 : vector<1x1024xf32> to vector<512x1024xf32>
    %mul3A_75 = arith.mulf %mul3A_74, %add3A_23 : vector<512x1024xf32>
    %exp23A = math.exp2 %mul3A_75 : vector<512x1024xf32>
    %get3A_76 = arith.constant 0 : index
    %get3A_77 = arith.constant 0 : index
    %get3A_78 = vector.load %arg2[%get3A_76, %get3A_77] : memref<1x1024xf32, #tpu.memory_space<vmem>>, vector<1x1024xf32>
    %mul3A_79 = vector.broadcast %get3A_78 : vector<1x1024xf32> to vector<512x1024xf32>
    %mul3A_80 = arith.mulf %mul3A_79, %select_n3A_42 : vector<512x1024xf32>
    %mul3A_81 = arith.mulf %select_n3A_56, %select_n3A_70 : vector<512x1024xf32>
    %mul3A_82 = arith.mulf %mul3A_80, %mul3A_81 : vector<512x1024xf32>
    %mul3A_83 = arith.mulf %mul3A_82, %exp23A : vector<512x1024xf32>
    %iota3A = tpu.iota {dimensions = array<i32: 0>} : vector<256x1024xi32>
    %get3A_84 = arith.constant 0 : index
    %get3A_85 = arith.constant 0 : index
    %get3A_86 = vector.load %arg6[%get3A_84, %get3A_85] : memref<1x1024xi32, #tpu.memory_space<vmem>>, vector<1x1024xi32>
    %eq3A_87 = vector.broadcast %get3A_86 : vector<1x1024xi32> to vector<256x1024xi32>
    %eq3A_88 = arith.cmpi eq, %iota3A, %eq3A_87 : vector<256x1024xi32>
    %convert_element_type3A = arith.extui %eq3A_88 : vector<256x1024xi1> to vector<256x1024xi32>
    %convert_element_type3A_89 = arith.sitofp %convert_element_type3A : vector<256x1024xi32> to vector<256x1024xf32>
    %dot_general3A = arith.constant dense<0.000000e+00> : vector<512x256xf32>
    %dot_general3A_90 = tpu.matmul %mul3A_83, %convert_element_type3A_89, %dot_general3A {dimension_numbers = #tpu.dot_dimension_numbers<[1], [1], [0], [0], [0, 0, 1, 0], [], []>, transpose_lhs_hint = false} : vector<512x1024xf32>, vector<256x1024xf32>, vector<512x256xf32> -> vector<512x256xf32>
    %swap3A = arith.constant 0 : index
    %swap3A_91 = arith.constant 0 : index
    %swap3A_92 = vector.load %arg7[%swap3A, %swap3A_91] : memref<512x256xf32, #tpu.memory_space<vmem>>, vector<512x256xf32>
    tpu.vector_store %arg7[%swap3A, %swap3A_91], %dot_general3A_90 {strides = array<i32>} : memref<512x256xf32, #tpu.memory_space<vmem>>, vector<512x256xf32>,
    return
  }
  func.func @transform_0(%arg0: i32) -> (i32, i32) {
    %c0_i32 = arith.constant 0 : i32
    %c0_i32_0 = arith.constant 0 : i32
    return %arg0, %c0_i32 : i32, i32
  }
  func.func @transform_1(%arg0: i32) -> (i32, i32) {
    %c0_i32 = arith.constant 0 : i32
    %c0_i32_0 = arith.constant 0 : i32
    %c0_i32_1 = arith.constant 0 : i32
    return %c0_i32, %c0_i32_0 : i32, i32
  }
  func.func @transform_2(%arg0: i32) -> (i32, i32) {
    %c0_i32 = arith.constant 0 : i32
    %c0_i32_0 = arith.constant 0 : i32
    %c0_i32_1 = arith.constant 0 : i32
    return %c0_i32, %c0_i32_0 : i32, i32
  }
  func.func @transform_3(%arg0: i32) -> (i32, i32) {
    %c0_i32 = arith.constant 0 : i32
    %c0_i32_0 = arith.constant 0 : i32
    %c0_i32_1 = arith.constant 0 : i32
    return %c0_i32, %c0_i32_0 : i32, i32
  }
  func.func @transform_4(%arg0: i32) -> (i32, i32) {
    %c0_i32 = arith.constant 0 : i32
    %c0_i32_0 = arith.constant 0 : i32
    %c0_i32_1 = arith.constant 0 : i32
    return %c0_i32, %c0_i32_0 : i32, i32
  }
  func.func @transform_5(%arg0: i32) -> (i32, i32) {
    %c0_i32 = arith.constant 0 : i32
    %c0_i32_0 = arith.constant 0 : i32
    %c0_i32_1 = arith.constant 0 : i32
    return %c0_i32, %c0_i32_0 : i32, i32
  }
  func.func @transform_6(%arg0: i32) -> (i32, i32) {
    %c0_i32 = arith.constant 0 : i32
    %c0_i32_0 = arith.constant 0 : i32
    return %arg0, %c0_i32 : i32, i32
  }
}

module attributes {stable_mosaic.version = 14 : i64} {
  func.func @_seg_block(%arg0: i32, %arg1: memref<256x1024xf32, #tpu.memory_space<vmem>>, %arg2: memref<1x1024xi32, #tpu.memory_space<vmem>>, %arg3: memref<256x256xf32, #tpu.memory_space<vmem>>) attributes {dimension_semantics = [#tpu.dimension_semantics<parallel>], iteration_bounds = array<i64: 2>, scalar_prefetch = 0 : i64, scratch_operands = 0 : i64, tpu.core_type = #tpu.core_type<tc>, window_params = [{transform_indices = @transform_0, window_bounds = array<i64: 256, 1024>}, {pipeline_mode = #tpu.pipeline_mode<synchronous>, transform_indices = @transform_1, window_bounds = array<i64: 1, 1024>}, {transform_indices = @transform_2, window_bounds = array<i64: 256, 256>}]} {
    %iota3A = tpu.iota {dimensions = array<i32: 0>} : vector<256x1024xi32>
    %get3A = arith.constant 0 : index
    %get3A_0 = arith.constant 0 : index
    %get3A_1 = vector.load %arg2[%get3A, %get3A_0] : memref<1x1024xi32, #tpu.memory_space<vmem>>, vector<1x1024xi32>
    %eq3A = vector.broadcast %get3A_1 : vector<1x1024xi32> to vector<256x1024xi32>
    %eq3A_2 = arith.cmpi eq, %iota3A, %eq3A : vector<256x1024xi32>
    %convert_element_type3A = arith.extui %eq3A_2 : vector<256x1024xi1> to vector<256x1024xi32>
    %convert_element_type3A_3 = arith.sitofp %convert_element_type3A : vector<256x1024xi32> to vector<256x1024xf32>
    %get3A_4 = arith.constant 0 : index
    %get3A_5 = arith.constant 0 : index
    %get3A_6 = vector.load %arg1[%get3A_4, %get3A_5] : memref<256x1024xf32, #tpu.memory_space<vmem>>, vector<256x1024xf32>
    %dot_general3A = arith.constant dense<0.000000e+00> : vector<256x256xf32>
    %dot_general3A_7 = tpu.matmul %get3A_6, %convert_element_type3A_3, %dot_general3A {dimension_numbers = #tpu.dot_dimension_numbers<[1], [1], [0], [0], [0, 0, 1, 0], [], []>, transpose_lhs_hint = false} : vector<256x1024xf32>, vector<256x1024xf32>, vector<256x256xf32> -> vector<256x256xf32>
    %swap3A = arith.constant 0 : index
    %swap3A_8 = arith.constant 0 : index
    %swap3A_9 = vector.load %arg3[%swap3A, %swap3A_8] : memref<256x256xf32, #tpu.memory_space<vmem>>, vector<256x256xf32>
    tpu.vector_store %arg3[%swap3A, %swap3A_8], %dot_general3A_7 {strides = array<i32>} : memref<256x256xf32, #tpu.memory_space<vmem>>, vector<256x256xf32>,
    return
  }
  func.func @transform_0(%arg0: i32) -> (i32, i32) {
    %c0_i32 = arith.constant 0 : i32
    %c0_i32_0 = arith.constant 0 : i32
    return %arg0, %c0_i32 : i32, i32
  }
  func.func @transform_1(%arg0: i32) -> (i32, i32) {
    %c0_i32 = arith.constant 0 : i32
    %c0_i32_0 = arith.constant 0 : i32
    %c0_i32_1 = arith.constant 0 : i32
    return %c0_i32, %c0_i32_0 : i32, i32
  }
  func.func @transform_2(%arg0: i32) -> (i32, i32) {
    %c0_i32 = arith.constant 0 : i32
    %c0_i32_0 = arith.constant 0 : i32
    return %arg0, %c0_i32 : i32, i32
  }
}

</mosaic_0001>

<sc_bundles>
// kernel: kernel.5.cloned.1.call-start
scs
__scs_entry_jumppad:
0x0: {  	(pc) =	sbr.rel $0x88, $3  }
0x1: {  	(tag) =	ssettag $0x0;
	lr =	simm.s32 $0x1  }
0x2: {  	[smem:$0x3F9A] =	sst lr;
	_ =	strace $0xD0000000  }
0x3: {  	_ = 	snop  }
0x4: {  	_ = 	snop  }
0x5: {  	_ = 	snop  }
0x6: {  	_ = 	snop  }
0x7: {  	_ = 	snop  }
__scs_overlays_trampoline_lowered:
0x8: {  	[smem:$0x3FA9] =	sst s0  }
0x9: {  	[smem:$0x3FAA] =	sst s1  }
0xa: {  	[smem:$0x3FAB] =	sst s2  }
0xb: {  	[smem:$0x3FAC] =	sst s3  }
0xc: {  	[smem:$0x3FAD] =	sst s4  }
0xd: {  	[smem:$0x3FAE] =	sst s5  }
0xe: {  	[smem:$0x3FAF] =	sst s6  }
0xf: {  	[smem:$0x3FB0] =	sst s7  }
0x10: {  	[smem:$0x3FB1] =	sst s8  }
0x11: {  	[smem:$0x3FB2] =	sst s9;
	s0 =	simm.s32 @!p0 $0x0  }
0x12: {  	s1 =	sld [smem:$0x3F98];
	s0 =	simm.s32 @p0 $0x1  }
0x13: {  	[smem:$0x3FB3] =	sst s0;
	s0 =	simm.s32 @!p1 $0x0  }
0x14: {  	s2 =	sld [smem:$0x3F97];
	s0 =	simm.s32 @p1 $0x1  }
0x15: {  	[smem:$0x3FB4] =	sst s0;
	s0 =	simm.s32 @!p2 $0x0  }
0x16: {  	s3 =	sld [smem:$0x3FDB];
	s0 =	simm.s32 @p2 $0x1  }
0x17: {  	s4 =	simm.s32 $0x1BF5;
	[smem:$0x3FB6] =	sst s0  }
0x18: {  	s0 =	sld [smem:$0x3F99];
	_ =	swait.ge [sflag:s4], $0x0  }
0x19: {  	s7 =	sld [smem:$0x3F9A]  }
0x1a: {  	s8 =	sadd.s32 $0xFFFFE003, lr  }
0x1b: {  	s9 =	sadd.s32 $0xFFFFFEF7, lr;
	s5 =	simm.s32 $0xFFFFFFFF;
	p2 =	slt.u32 s8, $0xFFFFF086  }
0x1c: {  	p1 =	slt.u32 s9, $0xF7A;
	s5 =	simm.s32 @!p2 $0x0  }
0x1d: {  	s5 =	simm.s32 @p1 $0x1;
	p0 =	seq.s32 s7, s2  }
0x1e: {  	s7 =	smul.u32 @!p0 $0xF7A, s2;
	p2 =	seq.s32 @!p0 s5, $0x0  }
0x1f: {  	s9 =	smul.u32 $0xF7A, s1;
	s8 =	simm.s32 @!p0 $0x1BF5;
	p2 =	por !p2, p0  }
0x20: {  	[sflag:s8] =	ssyncset.s32 @!p0 $0xFFFFF086;
	s6 =	sadd.s32 @!p0 s3, s7;
	s7 =	simm.s32 @!p0 $0x108  }
0x21: {  	s3 =	sadd.s32 s3, s9;
	s6 =	sadd.s32 @!p0 $0x88, s6;
	s7 =	simm.s32 @p2 $0x1082  }
0x22: {  	[simem:s7], [sflag:s8] =	dma.local @!p0 [hbm:s6], $0xF7A  }
0x23: {  	s9 =	sor.u32 $0xD0000000, s2;
	s6 =	simm.s32 $0x108;
	_ =	swait.ge @!p0 [sflag:s8], $0x0  }
0x24: {  	s3 =	sadd.s32 $0x88, s3;
	s6 =	simm.s32 @!p1 $0x1082;
	[sflag:s4] =	ssyncset.s32 $0xFFFFF086  }
0x25: {  	[simem:s6], [sflag:s4] =	dma.local [hbm:s3], $0xF7A  }
0x26: {  	[smem:$0x3F9A] =	sst s1;
	(tag) =	ssettag s2;
	_ =	strace s9  }
0x27: {  	s1 =	sld [smem:$0x3FAA]  }
0x28: {  	s2 =	sld [smem:$0x3FAB]  }
0x29: {  	s4 =	sld [smem:$0x3FAD]  }
0x2a: {  	p0 =	seq.s32 s5, $0x0;
	s5 =	sld [smem:$0x3FAE]  }
0x2b: {  	s6 =	sld [smem:$0x3FAF]  }
0x2c: {  	s7 =	sld [smem:$0x3FB0]  }
0x2d: {  	s3 =	simm.s32 $0x108;
	s8 =	sld [smem:$0x3FB1]  }
0x2e: {  	s3 =	simm.s32 @!p0 $0x1082;
	s9 =	sld [smem:$0x3FB2]  }
0x2f: {  	lr =	sadd.s32 s0, s3;
	s0 =	sld [smem:$0x3FA9]  }
0x30: {  	s3 =	sld [smem:$0x3FAC]  }
0x31: {  	[smem:$0x3FB5] =	sst s10  }
0x32: {  	s10 =	sld [smem:$0x3FB3];
	_ =	sdelay $0x3  }
0x33: {  	p0 =	seq.s32 s10, $0x1;
	s10 =	sld [smem:$0x3FB5];
	_ =	sdelay $0x3  }
0x34: {  	[smem:$0x3FB5] =	sst s10  }
0x35: {  	s10 =	sld [smem:$0x3FB4];
	_ =	sdelay $0x3  }
0x36: {  	p1 =	seq.s32 s10, $0x1;
	s10 =	sld [smem:$0x3FB5];
	_ =	sdelay $0x3  }
0x37: {  	[smem:$0x3FB5] =	sst s10  }
0x38: {  	s10 =	sld [smem:$0x3FB6]  }
0x39: {  	_ = 	snop;
	(pc) =	sbr.ind lr, $3  }
0x3a: {  	_ = 	snop  }
0x3b: {  	_ = 	snop  }
0x3c: {  	p2 =	seq.s32 s10, $0x1;
	s10 =	sld [smem:$0x3FB5]  }
0x3d: {  	_ =	shalt  }
0x3e: {  	_ =	shalt  }
0x3f: {  	_ =	shalt  }
0x40: {  	_ =	shalt  }
0x41: {  	_ =	shalt  }
0x42: {  	_ =	shalt  }
0x43: {  	_ =	shalt  }
0x44: {  	_ =	shalt  }
0x45: {  	_ =	shalt  }
0x46: {  	_ =	shalt  }
0x47: {  	_ =	shalt  }
0x48: {  	_ =	shalt  }
0x49: {  	_ =	shalt  }
0x4a: {  	_ =	shalt  }
0x4b: {  	_ =	shalt  }
0x4c: {  	_ =	shalt  }
0x4d: {  	_ =	shalt  }
0x4e: {  	_ =	shalt  }
0x4f: {  	_ =	shalt  }
0x50: {  	_ =	shalt  }
0x51: {  	_ =	shalt  }
0x52: {  	_ =	shalt  }
0x53: {  	_ =	shalt  }
0x54: {  	_ =	shalt  }
0x55: {  	_ =	shalt  }
0x56: {  	_ =	shalt  }
0x57: {  	_ =	shalt  }
0x58: {  	_ =	shalt  }
0x59: {  	_ =	shalt  }
0x5a: {  	_ =	shalt  }
0x5b: {  	_ =	shalt  }
0x5c: {  	_ =	shalt  }
0x5d: {  	_ =	shalt  }
0x5e: {  	_ =	shalt  }
0x5f: {  	_ =	shalt  }
0x60: {  	_ =	shalt  }
0x61: {  	_ =	shalt  }
0x62: {  	_ =	shalt  }
0x63: {  	_ =	shalt  }
0x64: {  	_ =	shalt  }
0x65: {  	_ =	shalt  }
0x66: {  	_ =	shalt  }
0x67: {  	_ =	shalt  }
0x68: {  	_ =	shalt  }
0x69: {  	_ =	shalt  }
0x6a: {  	_ =	shalt  }
0x6b: {  	_ =	shalt  }
0x6c: {  	_ =	shalt  }
0x6d: {  	_ =	shalt  }
0x6e: {  	_ =	shalt  }
0x6f: {  	_ =	shalt  }
0x70: {  	_ =	shalt  }
0x71: {  	_ =	shalt  }
0x72: {  	_ =	shalt  }
0x73: {  	_ =	shalt  }
0x74: {  	_ =	shalt  }
0x75: {  	_ =	shalt  }
0x76: {  	_ =	shalt  }
0x77: {  	_ =	shalt  }
0x78: {  	_ =	shalt  }
0x79: {  	_ =	shalt  }
0x7a: {  	_ =	shalt  }
0x7b: {  	_ =	shalt  }
0x7c: {  	_ =	shalt  }
0x7d: {  	_ =	shalt  }
0x7e: {  	_ =	shalt  }
0x7f: {  	_ =	shalt  }
0x80: {  	_ =	shalt  }
0x81: {  	_ =	shalt  }
0x82: {  	_ =	shalt  }
0x83: {  	_ =	shalt  }
0x84: {  	_ =	shalt  }
0x85: {  	_ =	shalt  }
0x86: {  	_ =	shalt  }
0x87: {  	_ =	shalt  }
.Lfunc_end0:
.L_simem_size_0:
called_computation_lowered:
.L_overlay_start_0:
0x88: {  	s2 =	sld [smem:$0x3FD9]  }
0x89: {  	s3 =	sld [smem:$0x3FFE];
	_ =	sdelay $0x1  }
0x8a: {  	s1 =	srdreg.scid  }
0x8b: {  	s0 =	sand.u32 $0x1, s1  }
0x8c: {  	s17 =	sshll.u32 s0, $0xA;
	s2 =	sadd.s32 s3, s2  }
0x8d: {  	s2 =	sadd.s32 s2, s17  }
0x8e: {  	[smem:$0x3FC1] =	sst s2  }
0x8f: {  	_ = 	snop  }
0x90: {  	s2 =	sld [smem:$0x3FD0];
	(tm) =	ssettm $0x1  }
0x91: {  	s18 =	sld [smem:$0x3FFB];
	_ =	sdelay $0x3  }
0x92: {  	_ =	strace s18  }
0x93: {  	s3 =	sld [smem:$0x3FFC];
	_ =	sdelay $0x3  }
0x94: {  	_ =	strace s3  }
0x95: {  	s3 =	sld [smem:$0x3FFD];
	_ =	sdelay $0x3  }
0x96: {  	_ =	strace s3  }
0x97: {  	_ =	strace $0x8FFFFFFF  }
0x98: {  	s19 =	sld [smem:$0x3FDB];
	_ =	sdelay $0x1  }
0x99: {  	s4 =	simm.s32 $_scs_section_size  }
0x9a: {  	s5 =	simm.s32 $_size__tile_overlayer_lowered;
	s6 =	simm.s32 $_tile_overlayer_lowered  }
0x9b: {  	s22 =	simm.s32 $0x1BFF;
	s21 =	sshll.u32 s6, $0x1;
	s3 =	sadd.s32 s4, s19  }
0x9c: {  	s7 =	simm.s32 $0x0;
	s20 =	sshll.u32 s5, $0x1;
	s5 =	sadd.s32 s21, s3  }
0x9d: {  	[timem:s7], [sflag:s22] =	dma.local [hbm:s5], s20  }
0x9e: {  	_ =	swait.ge [sflag:s22], s20  }
0x9f: {  	s4 =	ssub.s32 $0x0, s20;
	[sflag:s22] =	ssyncset.done $0x0  }
0xa0: {  	[sflag:s22] =	ssyncadd.s32 s4;
	_ =	sdelay $0x1  }
0xa1: {  	s23 =	simm.s32 $0x1B8B  }
0xa2: {  	_ =	swait.ge [sflag:s23], $0x1  }
0xa3: {  	[sflag:s23] =	ssyncset.done $0x0  }
0xa4: {  	s25 =	simm.s32 $0x1B8E;
	s24 =	sld [smem:$0x3FFE];
	[sflag:s23] =	ssyncadd.s32 $0xFFFFFFFF  }
0xa5: {  	s26 =	simm.s32 $execute0_lowered;
	[smem:$0x3FD2] =	sst s25  }
0xa6: {  	s5 =	sshll.u32 s26, $0x1;
	_ =	strace $0x80000046;
	[dreg:$0x1] =	wrdreg $0xFFFFFFFF  }
0xa7: {  	s28 =	simm.s32 $_size_execute0_lowered;
	s3 =	sadd.s32 s3, s5;
	[dreg:$0x0] =	wrdreg $0x0  }
0xa8: {  	s5 =	sshll.u32 s28, $0x1;
	[dreg:$0x2] =	wrdreg s3  }
0xa9: {  	[dreg:$0x3] =	wrdreg s5  }
0xaa: {  	[dreg:$0x4] =	wrdreg $0xC0  }
0xab: {  	_ =	task [dreg:s7], $0x5FFFF  }
0xac: {  	[dreg:$0x1] =	wrdreg $0xFFFFFFFF  }
0xad: {  	[dreg:$0x0] =	wrdreg $0x60  }
0xae: {  	[dreg:$0x2] =	wrdreg s24  }
0xaf: {  	[dreg:$0x3] =	wrdreg s2  }
0xb0: {  	[dreg:$0x4] =	wrdreg $0x9  }
0xb1: {  	_ =	task.clear_ibuf [dreg:s7], $0x5FFFF;
	_ =	strace $0x90000046  }
0xb2: {  	s29 =	simm.s32 $0x9;
	_ =	strace $0x80000048  }
0xb3: {  	_ =	swait.ge [sflag:s29], $0x1  }
0xb4: {  	[sflag:s29] =	ssyncadd.s32 $0xFFFFFFFF  }
0xb5: {  	_ =	strace $0x90000048  }
0xb6: {  	_ =	sfence  }
0xb7: {  	s30 =	sld [smem:$0x0];
	_ =	sdelay $0x2  }
0xb8: {  	s31 =	sshll.u32 s1, $0xD;
	s1 =	sshrl.u32 s1, $0x2  }
0xb9: {  	s3 =	sand.u32 $0x4000, s31;
	s1 =	sadd.s32 s1, s30  }
0xba: {  	s0 =	sor.u32 s3, s0;
	s1 =	sshll.u32 s1, $0x11  }
0xbb: {  	s0 =	sor.u32 s1, s0  }
0xbc: {  	s0 =	sadd.s32 $0x8F2B, s0  }
0xbd: {  	[sflag:s0] =	ssyncadd.remote.s32 $0x1  }
0xbe: {  	_ =	sfence.sel $0xFFFF  }
0xbf: {  	[dreg:$0x0] =	wrdreg $0xFFFFFFFF;
	(pc) =	sbr.abs _section_cstart, $3  }
0xc0: {  	[dreg:$0x1] =	wrdreg $0xFFFFFFFF  }
0xc1: {  	_ =	task.clear_ibuf [dreg:s7], $0x2FFFF;
	_ =	strace $0x9FFFFFFF  }
0xc2: {  	(tm) =	ssettm $0x7FFFFFFF  }
0xc3: {  	_ =	shalt  }
tec
execute0_lowered:
.L_overlay_start_1:
0x0: {  	(tag) =	ssettag $0x1  }
0x1: {  	s4 =	rddreg [dreg:$0x0]  }
0x2: {  	s1 =	srdreg.scid;
	s0 =	stileid.u32  }
0x3: {  	s6 =	rddreg [dreg:$0x1];
	s2 =	simm.s32 $0x0;
	s10 =	simm.s32 $0x1700  }
0x4: {  	s11 =	simm.s32 $0x2300;
	s5 =	sand.u32 $0x1, s1;
	s3 =	sshll.u32 s0, $0x1  }
0x5: {  	s12 =	simm.s32 $0x0;
	s1 =	rddreg [dreg:$0x2];
	s7 =	sor.u32 s5, s3  }
0x6: {  	[smem:$0x7FF] =	sst s2;
	s5 =	ssub.s32 $0x2, s5;
	s3 =	smul.u32 $0x60, s7  }
0x7: {  	_ =	strace $0x80000047;
	s9 =	sshrl.u32 s5, $0x1;
	s7 =	sshll.u32 s7, $0xB  }
0x8: {  	s9 =	ssub.s32 s5, s9;
	s6 =	sadd.s32 s6, s7;
	s8 =	sadd.s32 s3, s4  }
0x9: {  	s3 =	sadd.s32 $0x2400, s4;
	s4 =	sadd.s32 $0x1600, s4;
	s7 =	smax.u32 s9, $0x1  }
0xa: {  	s9 =	simm.s32 $0x300;
	s5 =	sadd.s32 $0x1800, s8;
	s8 =	simm.s32 $0x1  }
.LBB2_1:
0xb: {  	[tilespmem:s2], [sflag:$0x1] =	stream.linear.gather [hbm4b:s5+s2], $0x300, $0x38;
	[tilespmem:$0x6300] =	vst v63  }
0xc: {  	_ =	swait.ge [sflag:s8], $0x300  }
0xd: {  	[sflag:s8] =	ssyncset.done $0x0  }
0xe: {  	[sflag:s8] =	ssyncadd.s32 $0xFFFFFD00  }
0xf: {  	[tilespmem:s9], [sflag:$0x1] =	stream.linear.gather [hbm4b:s3+s2], $0x1400, $0x38;
	[tilespmem:$0x6300] =	vst v63  }
0x10: {  	_ =	swait.ge [sflag:s8], $0x1400  }
0x11: {  	[sflag:s8] =	ssyncset.done $0x0  }
0x12: {  	[sflag:s8] =	ssyncadd.s32 $0xFFFFEC00  }
0x13: {  	[tilespmem:s10], [sflag:$0x1] =	stream.linear.gather [hbm4b:s4+s2], $0xC00, $0x38;
	[tilespmem:$0x6300] =	vst v63  }
0x14: {  	_ =	swait.ge [sflag:s8], $0xC00  }
0x15: {  	[sflag:s8] =	ssyncset.done $0x0  }
0x16: {  	s13 =	simm.s32 $0x0;
	[sflag:s8] =	ssyncadd.s32 $0xFFFFF400  }
.LBB2_2:
0x17: {  	s14 =	smul.u32 $0xC0, s13;
	_ =	sdelay $0x1  }
0x18: {  	s15 =	sshra.s32 s14, $0x2  }
0x19: {  	v0 =	vld [tilespmem:s15+$0x0]  }
0x1a: {  	s14 =	simm.s32 $0xB20;
	v1 =	vld [tilespmem:s15+$0x10]  }
0x1b: {  	v3 =	vld [tilespmem:s14+$0xFFFFF7E0]  }
0x1c: {  	v4 =	vld [tilespmem:s14+$0xFFFFFBE0]  }
0x1d: {  	v2 =	vld [tilespmem:s15+$0x20]  }
0x1e: {  	v5 =	vld [tilespmem:s14+$0xFFFFFFE0];
	_ =	sdelay $0x2  }
0x1f: {  	s28 =	simm.s32 $0x0;
	v3 =	vsub.f32 v0, v3;
	v4 =	vsub.f32 v1, v4  }
0x20: {  	s16 =	sand.u32 $0x380, s28;
	s18 =	sand.u32 $0x40, s28  }
0x21: {  	s15 =	sor.u32 s18, s16;
	v5 =	vsub.f32 v2, v5;
	v6 =	vmul.f32 v3, v3;
	v7 =	vmul.f32 v4, v4  }
0x22: {  	v8 =	vld [tilespmem:s15+$0xF00]  }
0x23: {  	v9 =	vmul.f32 v5, v5;
	v10 =	vadd.f32 v7, v6;
	_ =	sdelay $0x1  }
0x24: {  	s17 =	simm.s32 $0x1B20;
	v10 =	vadd.f32 v9, v10  }
0x25: {  	v11 =	vld [tilespmem:s17+$0xFFFFFFE0]  }
0x26: {  	v43 =	vld [tilespmem:s17+$0xFFFFFBE0];
	v8 =	vmul.f32 v10, v8  }
0x27: {  	v12 =	vld [tilespmem:s17+$0x3E0]  }
0x28: {  	v8 =	vmul.f32 $1.442695020e+00, v8;
	_ =	sdelay $0x1  }
0x29: {  	(erf) = vpow2.f32 v8  }
0x2a: {  	v44 =	vld [tilespmem:s15+$0x1300];
	vm0 =	veq.s32 v11, $0x1;
	vm1 =	veq.s32 v43, $0x1  }
0x2b: {  	vm5 =	veq.s32 v11, $0x0;
	vm6 =	veq.s32 v12, $0x1;
	vm2 =	veq.s32 v12, $0x0  }
0x2c: {  	vm7 =	veq.s32 v43, $0x0;
	v4 =	vsel vm0, v4, v7;
	v5 =	vsel vm6, v5, v9  }
0x2d: {  	v3 =	vsel vm1, v3, v6;
	v4 =	vsel vm5, $0x3F800000, v4;
	v5 =	vsel vm2, $0x3F800000, v5  }
0x2e: {  	v3 =	vsel vm7, $0x3F800000, v3;
	v4 =	vmul.f32 v5, v4  }
0x2f: {  	v3 =	vmul.f32 v3, v44  }
0x30: {  	s29 =	sshll.u32 s13, $0xA  }
0x31: {  	s15 =	sand.u32 $0x3FFFFC00, s29;
	v3 =	vmul.f32 v4, v3  }
0x32: {  	s15 =	sadd.s32 $0x2300, s15;
	v4 =	vpop (erf)  }
0x33: {  	s16 =	sadd.s32 s16, s15;
	v3 =	vmul.f32 v3, v4  }
0x34: {  	s18 =	sadd.s32 s18, s16  }
0x35: {  	[tilespmem:s18+$0x0] =	vst v3  }
0x36: {  	v3 =	vld [tilespmem:s14+$0xFFFFF7F0]  }
0x37: {  	v4 =	vld [tilespmem:s14+$0xFFFFFBF0];
	_ =	sdelay $0x1  }
0x38: {  	v5 =	vld [tilespmem:s14+$0xFFFFFFF0];
	_ =	sdelay $0x2  }
0x39: {  	v3 =	vsub.f32 v0, v3;
	v4 =	vsub.f32 v1, v4;
	_ =	sdelay $0x1  }
0x3a: {  	v5 =	vsub.f32 v2, v5;
	v6 =	vmul.f32 v3, v3;
	v7 =	vmul.f32 v4, v4  }
0x3b: {  	v45 =	vld [tilespmem:s14+$0x3F0]  }
0x3c: {  	v46 =	vmul.f32 v5, v5;
	v47 =	vadd.f32 v7, v6;
	_ =	sdelay $0x1  }
0x3d: {  	v10 =	vadd.f32 v46, v47  }
0x3e: {  	v48 =	vld [tilespmem:s17+$0xFFFFFFF0]  }
0x3f: {  	v49 =	vld [tilespmem:s17+$0xFFFFFBF0];
	v8 =	vmul.f32 v10, v45  }
0x40: {  	v50 =	vld [tilespmem:s17+$0x3F0]  }
0x41: {  	v8 =	vmul.f32 $1.442695020e+00, v8;
	_ =	sdelay $0x1  }
0x42: {  	(erf) = vpow2.f32 v8  }
0x43: {  	v51 =	vld [tilespmem:s14+$0x7F0];
	vm8 =	veq.s32 v49, $0x0;
	vm9 =	veq.s32 v49, $0x1  }
0x44: {  	vm10 =	veq.s32 v48, $0x1;
	vm11 =	veq.s32 v50, $0x1;
	vm12 =	veq.s32 v50, $0x0  }
0x45: {  	vm3 =	veq.s32 v48, $0x0;
	v4 =	vsel vm10, v4, v7;
	v5 =	vsel vm11, v5, v46  }
0x46: {  	v3 =	vsel vm9, v3, v6;
	v4 =	vsel vm3, $0x3F800000, v4;
	v5 =	vsel vm12, $0x3F800000, v5  }
0x47: {  	v3 =	vsel vm8, $0x3F800000, v3;
	v4 =	vmul.f32 v5, v4  }
0x48: {  	v3 =	vmul.f32 v3, v51;
	_ =	sdelay $0x1  }
0x49: {  	v3 =	vmul.f32 v4, v3  }
0x4a: {  	s30 =	simm.s32 $0x10;
	v4 =	vpop (erf)  }
0x4b: {  	s18 =	sand.u32 $0x50, s30;
	v3 =	vmul.f32 v3, v4  }
0x4c: {  	s18 =	sadd.s32 s18, s16  }
0x4d: {  	[tilespmem:s18+$0x0] =	vst v3  }
0x4e: {  	v3 =	vld [tilespmem:s14+$0xFFFFF800]  }
0x4f: {  	v4 =	vld [tilespmem:s14+$0xFFFFFC00];
	_ =	sdelay $0x1  }
0x50: {  	v5 =	vld [tilespmem:s14+$0x0];
	_ =	sdelay $0x2  }
0x51: {  	v3 =	vsub.f32 v0, v3;
	v4 =	vsub.f32 v1, v4;
	_ =	sdelay $0x1  }
0x52: {  	v5 =	vsub.f32 v2, v5;
	v6 =	vmul.f32 v3, v3;
	v7 =	vmul.f32 v4, v4  }
0x53: {  	v52 =	vld [tilespmem:s14+$0x400]  }
0x54: {  	v53 =	vmul.f32 v5, v5;
	v54 =	vadd.f32 v7, v6;
	_ =	sdelay $0x1  }
0x55: {  	v10 =	vadd.f32 v53, v54  }
0x56: {  	v55 =	vld [tilespmem:s17+$0x0]  }
0x57: {  	v56 =	vld [tilespmem:s17+$0xFFFFFC00];
	v8 =	vmul.f32 v10, v52  }
0x58: {  	v57 =	vld [tilespmem:s17+$0x400]  }
0x59: {  	v8 =	vmul.f32 $1.442695020e+00, v8;
	_ =	sdelay $0x1  }
0x5a: {  	(erf) = vpow2.f32 v8  }
0x5b: {  	v58 =	vld [tilespmem:s14+$0x800];
	vm13 =	veq.s32 v55, $0x1;
	vm14 =	veq.s32 v56, $0x1  }
0x5c: {  	vm15 =	veq.s32 v55, $0x0;
	vm8 =	veq.s32 v57, $0x0;
	vm9 =	veq.s32 v57, $0x1  }
0x5d: {  	vm4 =	veq.s32 v56, $0x0;
	v4 =	vsel vm13, v4, v7;
	v5 =	vsel vm9, v5, v53  }
0x5e: {  	v3 =	vsel vm14, v3, v6;
	v4 =	vsel vm15, $0x3F800000, v4;
	v5 =	vsel vm8, $0x3F800000, v5  }
0x5f: {  	v3 =	vsel vm4, $0x3F800000, v3;
	v4 =	vmul.f32 v5, v4  }
0x60: {  	v3 =	vmul.f32 v3, v58;
	_ =	sdelay $0x1  }
0x61: {  	v3 =	vmul.f32 v4, v3  }
0x62: {  	s31 =	simm.s32 $0x20;
	v4 =	vpop (erf)  }
0x63: {  	s18 =	sand.u32 $0x60, s31;
	v3 =	vmul.f32 v3, v4  }
0x64: {  	s18 =	sadd.s32 s18, s16  }
0x65: {  	[tilespmem:s18+$0x0] =	vst v3  }
0x66: {  	v3 =	vld [tilespmem:s14+$0xFFFFF810]  }
0x67: {  	v4 =	vld [tilespmem:s14+$0xFFFFFC10];
	_ =	sdelay $0x1  }
0x68: {  	v5 =	vld [tilespmem:s14+$0x10];
	_ =	sdelay $0x2  }
0x69: {  	v3 =	vsub.f32 v0, v3;
	v4 =	vsub.f32 v1, v4;
	_ =	sdelay $0x1  }
0x6a: {  	v5 =	vsub.f32 v2, v5;
	v60 =	vmul.f32 v3, v3;
	v61 =	vmul.f32 v4, v4  }
0x6b: {  	v6 =	vld [tilespmem:s14+$0x410]  }
0x6c: {  	v63 =	vmul.f32 v5, v5;
	v13 =	vadd.f32 v61, v60;
	_ =	sdelay $0x1  }
0x6d: {  	v13 =	vadd.f32 v63, v13;
	_ =	sdelay $0x1  }
0x6e: {  	v7 =	vld [tilespmem:s17+$0x10];
	v6 =	vmul.f32 v13, v6  }
0x6f: {  	v59 =	vld [tilespmem:s17+$0x410]  }
0x70: {  	v62 =	vld [tilespmem:s17+$0xFFFFFC10];
	v6 =	vmul.f32 $1.442695020e+00, v6;
	_ =	sdelay $0x1  }
0x71: {  	(erf) = vpow2.f32 v6  }
0x72: {  	v14 =	vld [tilespmem:s14+$0x810]  }
0x73: {  	vm10 =	veq.s32 v7, $0x0;
	vm11 =	veq.s32 v7, $0x1;
	vm12 =	veq.s32 v59, $0x0  }
0x74: {  	vm13 =	veq.s32 v59, $0x1;
	vm14 =	veq.s32 v62, $0x1;
	vm15 =	veq.s32 v62, $0x0  }
0x75: {  	v5 =	vsel vm13, v5, v63;
	v3 =	vsel vm14, v3, v60;
	v4 =	vsel vm11, v4, v61  }
0x76: {  	s20 =	simm.s32 $0x1B60;
	v5 =	vsel vm12, $0x3F800000, v5;
	v4 =	vsel vm10, $0x3F800000, v4;
	v7 =	vsel vm15, $0x3F800000, v3  }
0x77: {  	s19 =	simm.s32 $0x30;
	s18 =	simm.s32 $0x0;
	s17 =	simm.s32 $0x30;
	v3 =	vmul.f32 v5, v4;
	v4 =	vmul.f32 v7, v14  }
.LBB2_3:
0x78: {  	s18 =	sadd.s32 $0x4, s18;
	s17 =	sadd.s32 $0x40, s17;
	s14 =	sadd.s32 $0x40, s14  }
0x79: {  	p0 =	slt.u32 s18, $0x3C;
	v3 =	vmul.f32 v3, v4  }
0x7a: {  	v4 =	vpop (erf)  }
0x7b: {  	s21 =	sand.u32 $0x70, s19;
	s19 =	smov.u32 s17;
	v3 =	vmul.f32 v3, v4  }
0x7c: {  	s16 =	sadd.s32 s21, s16  }
0x7d: {  	[tilespmem:s16+$0x0] =	vst v3  }
0x7e: {  	v3 =	vld [tilespmem:s14+$0xFFFFF7E0]  }
0x7f: {  	v4 =	vld [tilespmem:s14+$0xFFFFFBE0]  }
0x80: {  	v5 =	vld [tilespmem:s14+$0xFFFFFFE0]  }
0x81: {  	v6 =	vld [tilespmem:s20+$0xFFFFFBE0]  }
0x82: {  	v7 =	vld [tilespmem:s20+$0xFFFFFFE0]  }
0x83: {  	s16 =	sadd.s32 $0xFFFFFFD0, s17;
	v8 =	vld [tilespmem:s20+$0x3E0];
	v3 =	vsub.f32 v0, v3  }
0x84: {  	s21 =	sand.u32 $0x380, s16;
	s22 =	sand.u32 $0x40, s16;
	v4 =	vsub.f32 v1, v4  }
0x85: {  	s23 =	sor.u32 s22, s21;
	s16 =	sadd.s32 s21, s15;
	v5 =	vsub.f32 v2, v5  }
0x86: {  	s21 =	sadd.s32 s22, s16;
	v10 =	vmul.f32 v3, v3;
	v9 =	vld [tilespmem:s23+$0xF00];
	v11 =	vmul.f32 v4, v4  }
0x87: {  	vm0 =	veq.s32 v6, $0x1;
	vm1 =	veq.s32 v7, $0x1  }
0x88: {  	v12 =	vmul.f32 v5, v5;
	v13 =	vadd.f32 v11, v10;
	v4 =	vsel vm1, v4, v11  }
0x89: {  	v3 =	vsel vm0, v3, v10;
	vm0 =	veq.s32 v7, $0x0;
	vm1 =	veq.s32 v8, $0x1  }
0x8a: {  	vm2 =	veq.s32 v8, $0x0;
	v5 =	vsel vm1, v5, v12;
	v7 =	vadd.f32 v12, v13  }
0x8b: {  	v4 =	vsel vm0, $0x3F800000, v4;
	v5 =	vsel vm2, $0x3F800000, v5  }
0x8c: {  	v4 =	vmul.f32 v5, v4;
	v5 =	vmul.f32 v7, v9;
	_ =	sdelay $0x1  }
0x8d: {  	v5 =	vmul.f32 $1.442695020e+00, v5;
	_ =	sdelay $0x1  }
0x8e: {  	(erf) = vpow2.f32 v5  }
0x8f: {  	v5 =	vld [tilespmem:s23+$0x1300];
	_ =	sdelay $0x2  }
0x90: {  	vm0 =	veq.s32 v6, $0x0  }
0x91: {  	v3 =	vsel vm0, $0x3F800000, v3  }
0x92: {  	v3 =	vmul.f32 v3, v5;
	_ =	sdelay $0x1  }
0x93: {  	v3 =	vmul.f32 v4, v3  }
0x94: {  	v4 =	vpop (erf)  }
0x95: {  	v3 =	vmul.f32 v3, v4;
	_ =	sdelay $0x1  }
0x96: {  	[tilespmem:s21+$0x0] =	vst v3  }
0x97: {  	v3 =	vld [tilespmem:s20+$0xFFFFFFF0]  }
0x98: {  	v4 =	vld [tilespmem:s14+$0xFFFFF7F0]  }
0x99: {  	v5 =	vld [tilespmem:s14+$0xFFFFFBF0];
	_ =	sdelay $0x1  }
0x9a: {  	v6 =	vld [tilespmem:s14+$0xFFFFFFF0]  }
0x9b: {  	v7 =	vld [tilespmem:s20+$0xFFFFFBF0];
	_ =	sdelay $0x1  }
0x9c: {  	v4 =	vsub.f32 v0, v4;
	v8 =	vld [tilespmem:s20+$0x3F0];
	v5 =	vsub.f32 v1, v5;
	_ =	sdelay $0x1  }
0x9d: {  	v9 =	vmul.f32 v4, v4;
	v6 =	vsub.f32 v2, v6;
	v10 =	vmul.f32 v5, v5  }
0x9e: {  	vm2 =	veq.s32 v3, $0x1;
	v11 =	vld [tilespmem:s14+$0x3F0];
	vm0 =	veq.s32 v7, $0x0;
	vm1 =	veq.s32 v7, $0x1  }
0x9f: {  	v7 =	vmul.f32 v6, v6;
	v12 =	vadd.f32 v10, v9;
	v5 =	vsel vm2, v5, v10  }
0xa0: {  	v4 =	vsel vm1, v4, v9;
	vm1 =	veq.s32 v8, $0x0;
	vm2 =	veq.s32 v8, $0x1  }
0xa1: {  	vm3 =	veq.s32 v3, $0x0;
	v8 =	vadd.f32 v7, v12;
	v3 =	vsel vm2, v6, v7  }
0xa2: {  	v4 =	vsel vm0, $0x3F800000, v4;
	v5 =	vsel vm3, $0x3F800000, v5;
	v3 =	vsel vm1, $0x3F800000, v3  }
0xa3: {  	v3 =	vmul.f32 v3, v5;
	v5 =	vmul.f32 v8, v11;
	_ =	sdelay $0x1  }
0xa4: {  	v5 =	vmul.f32 $1.442695020e+00, v5;
	_ =	sdelay $0x1  }
0xa5: {  	(erf) = vpow2.f32 v5  }
0xa6: {  	v5 =	vld [tilespmem:s14+$0x7F0];
	_ =	sdelay $0x4  }
0xa7: {  	v5 =	vmul.f32 v4, v5;
	_ =	sdelay $0x1  }
0xa8: {  	v3 =	vmul.f32 v3, v5  }
0xa9: {  	s21 =	sadd.s32 $0xFFFFFFE0, s17;
	v4 =	vpop (erf)  }
0xaa: {  	s21 =	sand.u32 $0x50, s21;
	v3 =	vmul.f32 v3, v4  }
0xab: {  	s21 =	sadd.s32 s21, s16  }
0xac: {  	[tilespmem:s21+$0x0] =	vst v3  }
0xad: {  	v3 =	vld [tilespmem:s14+$0xFFFFF800]  }
0xae: {  	v4 =	vld [tilespmem:s14+$0xFFFFFC00];
	_ =	sdelay $0x1  }
0xaf: {  	v5 =	vld [tilespmem:s14+$0x0]  }
0xb0: {  	v6 =	vld [tilespmem:s20+$0x0]  }
0xb1: {  	v7 =	vld [tilespmem:s20+$0xFFFFFC00];
	v3 =	vsub.f32 v0, v3  }
0xb2: {  	v8 =	vld [tilespmem:s20+$0x400];
	v4 =	vsub.f32 v1, v4;
	_ =	sdelay $0x1  }
0xb3: {  	v9 =	vmul.f32 v3, v3;
	v5 =	vsub.f32 v2, v5;
	v10 =	vmul.f32 v4, v4  }
0xb4: {  	v11 =	vld [tilespmem:s14+$0x400];
	vm0 =	veq.s32 v6, $0x1  }
0xb5: {  	v12 =	vld [tilespmem:s14+$0x800];
	v13 =	vmul.f32 v5, v5;
	v14 =	vadd.f32 v10, v9;
	v4 =	vsel vm0, v4, v10  }
0xb6: {  	vm1 =	veq.s32 v6, $0x0;
	vm0 =	veq.s32 v7, $0x1;
	vm2 =	veq.s32 v8, $0x0  }
0xb7: {  	vm3 =	veq.s32 v8, $0x1;
	v6 =	vadd.f32 v13, v14  }
0xb8: {  	vm4 =	veq.s32 v7, $0x0;
	v3 =	vsel vm0, v3, v9;
	v4 =	vsel vm1, $0x3F800000, v4  }
0xb9: {  	v3 =	vsel vm4, $0x3F800000, v3;
	v5 =	vsel vm3, v5, v13;
	v6 =	vmul.f32 v6, v11  }
0xba: {  	v5 =	vsel vm2, $0x3F800000, v5;
	v3 =	vmul.f32 v3, v12  }
0xbb: {  	v4 =	vmul.f32 v5, v4;
	v5 =	vmul.f32 $1.442695020e+00, v6;
	_ =	sdelay $0x1  }
0xbc: {  	v3 =	vmul.f32 v4, v3;
	(erf) = vpow2.f32 v5;
	_ =	sdelay $0x8  }
0xbd: {  	s21 =	sadd.s32 $0xFFFFFFF0, s17;
	v4 =	vpop (erf)  }
0xbe: {  	s21 =	sand.u32 $0x60, s21;
	v3 =	vmul.f32 v3, v4  }
0xbf: {  	s21 =	sadd.s32 s21, s16  }
0xc0: {  	[tilespmem:s21+$0x0] =	vst v3  }
0xc1: {  	v3 =	vld [tilespmem:s14+$0xFFFFF810]  }
0xc2: {  	v4 =	vld [tilespmem:s14+$0xFFFFFC10]  }
0xc3: {  	v5 =	vld [tilespmem:s14+$0x10]  }
0xc4: {  	v6 =	vld [tilespmem:s14+$0x410]  }
0xc5: {  	v7 =	vld [tilespmem:s20+$0x410]  }
0xc6: {  	v8 =	vld [tilespmem:s20+$0x10];
	v3 =	vsub.f32 v0, v3  }
0xc7: {  	v9 =	vld [tilespmem:s20+$0xFFFFFC10];
	v4 =	vsub.f32 v1, v4  }
0xc8: {  	v10 =	vld [tilespmem:s14+$0x810];
	v5 =	vsub.f32 v2, v5  }
0xc9: {  	v11 =	vmul.f32 v3, v3;
	v12 =	vmul.f32 v4, v4;
	_ =	sdelay $0x1  }
0xca: {  	v13 =	vmul.f32 v5, v5;
	v14 =	vadd.f32 v12, v11;
	vm0 =	veq.s32 v8, $0x0  }
0xcb: {  	vm2 =	veq.s32 v7, $0x0;
	vm3 =	veq.s32 v7, $0x1;
	vm1 =	veq.s32 v8, $0x1  }
0xcc: {  	vm4 =	veq.s32 v9, $0x1;
	v5 =	vsel vm3, v5, v13;
	v7 =	vadd.f32 v13, v14  }
0xcd: {  	vm3 =	veq.s32 v9, $0x0;
	v3 =	vsel vm4, v3, v11;
	v5 =	vsel vm2, $0x3F800000, v5  }
0xce: {  	v8 =	vsel vm3, $0x3F800000, v3;
	v3 =	vsel vm1, v4, v12;
	v4 =	vmul.f32 v7, v6  }
0xcf: {  	v3 =	vsel vm0, $0x3F800000, v3  }
0xd0: {  	v3 =	vmul.f32 v5, v3;
	v4 =	vmul.f32 $1.442695020e+00, v4;
	_ =	sdelay $0x1  }
0xd1: {  	(erf) = vpow2.f32 v4;
	_ =	sdelay $0x1  }
.Ltmp0:
0xd2: {  	(pc) =	sbr.rel @p0 .LBB2_3-.Ltmp0, $2  }
0xd3: {  	_ =	sdelay $0x2  }
0xd4: {  	s20 =	sadd.s32 $0x40, s20;
	v4 =	vmul.f32 v8, v10  }
0xd5: {  	s13 =	sadd.s32 $0x1, s13  }
0xd6: {  	p0 =	sne.s32 s13, $0x10  }
.Ltmp1:
0xd7: {  	v0 =	vmul.f32 v3, v4;
	(pc) =	sbr.rel @p0 .LBB2_2-.Ltmp1, $4  }
0xd8: {  	v1 =	vpop (erf)  }
0xd9: {  	s14 =	sand.u32 $0x70, s19;
	v0 =	vmul.f32 v0, v1  }
0xda: {  	s14 =	sadd.s32 s14, s16  }
0xdb: {  	[tilespmem:s14+$0x0] =	vst v0  }
0xdc: {  	s12 =	sadd.s32 $0x1, s12  }
0xdd: {  	p0 =	sne.s32 s12, s7  }
.Ltmp2:
0xde: {  	_ = 	snop;
	(pc) =	sbr.rel @p0 .LBB2_1-.Ltmp2, $4  }
0xdf: {  	[hbm4b:s6+s2] =	stream.linear.scatter [tilespmem:s11], [sflag:$0x1], $0x4000, $0x38;
	[tilespmem:$0x6300] =	vst v63  }
0xe0: {  	_ =	swait.ge [sflag:s8], $0x4000  }
0xe1: {  	[sflag:s8] =	ssyncset.done $0x0  }
0xe2: {  	[sflag:s8] =	ssyncadd.s32 $0xFFFFC000  }
0xe3: {  	_ =	sfence.sel $0x180000  }
0xe4: {  	[bflag:$0x0] =	sbarrier.arrive $0xFFFF  }
0xe5: {  	p0 =	sne.s32 s0, $0x0;
	_ =	strace $0x90000047  }
0xe6: {  	s0 =	sadd.s32 @!p0 $0x100000, s1;
	[bflag:$0x2] =	sbarrier.arrive $0xFFFF  }
0xe7: {  	[sflag:s0] =	ssyncadd.tile.s32 @!p0 $0x1;
	_ =	shalt  }
.Lfunc_end2:
_tile_overlayer_lowered:
.L_overlay_start_2:
0xe8: {  	(tag) =	ssettag $0x2  }
0xe9: {  	s0 =	rddreg [dreg:$0x0];
	s2 =	stileid.u32  }
0xea: {  	s1 =	rddreg [dreg:$0x1];
	p0 =	sne.s32 s2, $0x0  }
0xeb: {  	s3 =	rddreg [dreg:$0x2];
	[bflag:$0x3] =	sbarrier.arrive $0xFFFF;
	s2 =	simm.s32 @!p0 $0x1C01  }
0xec: {  	[timem:s3], [sflag:s2] =	dma.local @!p0 [hbm:s0], s1  }
0xed: {  	s0 =	simm.s32 @!p0 $0x1  }
0xee: {  	_ =	swait.ge @!p0 [sflag:s0], s1  }
0xef: {  	s1 =	ssub.s32 @!p0 $0x0, s1;
	[sflag:s0] =	ssyncset.done @!p0 $0x0  }
0xf0: {  	[sflag:s0] =	ssyncadd.s32 @!p0 s1  }
0xf1: {  	[bflag:$0x3] =	sbarrier.arrive $0xFFFF  }
0xf2: {  	_ =	shalt  }

</sc_bundles>
